<compile_context>
chip_gen: v7x
topology: tpu7x:2x2x1
jax: 0.10.2.dev20260603
libtpu: 0.0.44.dev20260713+nightly
codegen_flags: <defaults>
</compile_context>

<pallas_src>
import jax
import jax.numpy as jnp
from jax import lax
from jax.experimental import pallas as pl
from jax.experimental.pallas import tpu as pltpu, tpu_sc as plsc

_N = 10000
_NPAD = 10240
_G = 64
_D = 256


def _tc1_body(x_ref, brow_ref, w_ref, score_ref, fk_ref, counts_ref, starts_ref):
    x = x_ref[...]
    brow = brow_ref[...]
    w_row = w_ref[...]

    f32 = jnp.float32
    dg = jax.lax.dot_general
    wn = jax.lax.rsqrt(jnp.sum(w_row * w_row))
    score = dg(w_row, x, (((1,), (1,)), ((), ())),
               preferred_element_type=f32) * wn

    sc = jnp.where(score == 0.0, 0.0, score)
    sbits = jax.lax.bitcast_convert_type(sc, jnp.int32)
    key_asc = jnp.where(sbits >= 0, sbits, sbits ^ jnp.int32(0x7FFFFFFF))
    fk = -key_asc

    gids_col = jax.lax.broadcasted_iota(jnp.int32, (_G, 1), 0)
    gids_row = jax.lax.broadcasted_iota(jnp.int32, (1, _G), 1)
    ohT = jnp.where(gids_col == brow, 1.0, 0.0).astype(f32)
    ones_row = jnp.ones((1, _NPAD), f32)
    counts_f = dg(ones_row, ohT, (((1,), (1,)), ((), ())),
                  preferred_element_type=f32)
    slt = jnp.where(gids_col < gids_row, 1.0, 0.0).astype(f32)
    starts_f = dg(counts_f, slt, (((1,), (0,)), ((), ())),
                  preferred_element_type=f32)

    score_ref[...] = score
    fk_ref[...] = fk
    counts_ref[...] = counts_f.astype(jnp.int32)
    starts_ref[...] = starts_f.astype(jnp.int32)


def _splat(v):
    return jnp.full((16,), v, jnp.int32)


def _scal(vec):
    return lax.reduce_max(vec, axes=(0,))


def _sc_body(fk_hbm, counts_hbm, starts_hbm, vtab_hbm, fk_v, counts_v,
             starts_v, row_v, sem):
    wid = lax.axis_index("s") * 2 + lax.axis_index("c")
    pltpu.sync_copy(fk_hbm, fk_v)
    pltpu.sync_copy(counts_hbm, counts_v)
    pltpu.sync_copy(starts_hbm, starts_v)
    lanes = lax.iota(jnp.int32, 16)
    imax = jnp.int32(2147483647)
    imin = jnp.int32(-2147483647 - 1)

    for gi in range(2):
        g = wid * 2 + gi
        gv = _splat(g)
        n = _scal(plsc.load_gather(counts_v, [gv]))
        s = _scal(plsc.load_gather(starts_v, [gv]))
        k = (n + 1) // 2
        nchunk = (n + 15) // 16

        def count_le(t):
            def body(i, acc):
                idx = s + i * 16 + lanes
                valid = (i * 16 + lanes) < n
                v = plsc.load_gather(fk_v, [idx], mask=valid)
                c = jnp.where(valid & (v <= t), 1, 0)
                return acc + lax.reduce_sum(c, axes=(0,))
            return lax.fori_loop(0, nchunk, body, jnp.int32(0))

        def mm_body(i, st):
            lo, hi = st
            idx = s + i * 16 + lanes
            valid = (i * 16 + lanes) < n
            v = plsc.load_gather(fk_v, [idx], mask=valid)
            lo = jnp.minimum(lo, lax.reduce_min(
                jnp.where(valid, v, imax), axes=(0,)))
            hi = jnp.maximum(hi, lax.reduce_max(
                jnp.where(valid, v, imin), axes=(0,)))
            return lo, hi

        lo, hi = lax.fori_loop(0, nchunk, mm_body, (imax, imin))
        lo = jnp.minimum(lo, hi)

        def bs_cond(st):
            a, b = st
            return a < b

        def bs_body(st):
            a, b = st
            mid = (a >> 1) + (b >> 1) + (a & b & 1)
            c = count_le(mid)
            return (jnp.where(c >= k, a, mid + 1),
                    jnp.where(c >= k, mid, b))

        vfk, _ = lax.while_loop(bs_cond, bs_body, (lo, hi))
        nless = count_le(vfk - 1)
        need = k - nless

        def eq_body(i, st):
            cnt, best = st
            idx = s + i * 16 + lanes
            valid = (i * 16 + lanes) < n
            v = plsc.load_gather(fk_v, [idx], mask=valid)
            eq = valid & (v == vfk)
            pref = plsc.cumsum(jnp.where(eq, 1, 0)) + cnt
            hit = eq & (pref == need)
            best = jnp.maximum(best, lax.reduce_max(
                jnp.where(hit, idx, jnp.int32(-1)), axes=(0,)))
            return _scal(pref), best

        _, vidx = lax.fori_loop(0, nchunk, eq_body, (jnp.int32(0),
                                                     jnp.int32(-1)))

        row_v[...] = jnp.where(lanes == 0, vfk,
                               jnp.where(lanes == 1, vidx, 0))
        pltpu.sync_copy(row_v, vtab_hbm.at[g])


def _tc2_body(x_ref, brow_ref, score_ref, fk_ref, vtab_ref, out_ref):
    x = x_ref[...]
    brow = brow_ref[...]
    score = score_ref[...]
    fk = fk_ref[...]
    vtab = vtab_ref[...]

    f32 = jnp.float32
    dg = jax.lax.dot_general
    gids_col = jax.lax.broadcasted_iota(jnp.int32, (_G, 1), 0)
    gids_row = jax.lax.broadcasted_iota(jnp.int32, (1, _G), 1)
    ohT = jnp.where(gids_col == brow, 1.0, 0.0).astype(f32)

    ones_row = jnp.ones((1, _NPAD), f32)
    counts = dg(ones_row, ohT, (((1,), (1,)), ((), ())),
                preferred_element_type=f32)
    k = jnp.ceil(0.5 * counts)

    hi_f = (vtab >> 16).astype(f32)
    lo_f = (vtab & 0xFFFF).astype(f32)
    cols = jax.lax.broadcasted_iota(jnp.int32, (1, 16), 1)
    e0 = jnp.where(cols == 0, 1.0, 0.0).astype(f32)
    e1 = jnp.where(cols == 1, 1.0, 0.0).astype(f32)

    hp = jax.lax.Precision.HIGHEST

    def col_as_row(e, m):
        return dg(e, m, (((1,), (1,)), ((), ())), precision=hp,
                  preferred_element_type=f32)

    def per_node(row):
        return dg(row, ohT, (((1,), (0,)), ((), ())), precision=hp,
                  preferred_element_type=f32)

    vfk_at = (per_node(col_as_row(e0, hi_f)).astype(jnp.int32) * 65536
              + per_node(col_as_row(e0, lo_f)).astype(jnp.int32))
    vidx_at = (per_node(col_as_row(e1, hi_f)).astype(jnp.int32) * 65536
               + per_node(col_as_row(e1, lo_f)).astype(jnp.int32))

    idx = jax.lax.broadcasted_iota(jnp.int32, (1, _NPAD), 1)
    sel = (fk < vfk_at) | ((fk == vfk_at) & (idx <= vidx_at))

    gate = jnp.tanh(score)
    wsel = jnp.where(sel, gate, 0.0)
    ohT_w = ohT * wsel
    pooled = dg(ohT_w, x, (((1,), (0,)), ((), ())),
                preferred_element_type=f32)
    inv = 1.0 / jnp.maximum(k, 1.0)
    eye = jnp.where(gids_col == gids_row, 1.0, 0.0).astype(f32)
    inv_col = dg(eye, inv, (((1,), (1,)), ((), ())),
                 preferred_element_type=f32)
    out_ref[...] = pooled * inv_col


def _make_sc():
    mesh = plsc.VectorSubcoreMesh(core_axis_name="c", subcore_axis_name="s")
    return pl.kernel(
        _sc_body,
        out_type=jax.ShapeDtypeStruct((_G, 16), jnp.int32),
        mesh=mesh,
        compiler_params=pltpu.CompilerParams(needs_layout_passes=False),
        scratch_types=[
            pltpu.VMEM((_NPAD,), jnp.int32),
            pltpu.VMEM((_G,), jnp.int32),
            pltpu.VMEM((_G,), jnp.int32),
            pltpu.VMEM((16,), jnp.int32),
            pltpu.SemaphoreType.DMA,
        ],
    )


def kernel(x, edge_index, batch, w):
    del edge_index
    f32 = jnp.float32
    xp = jnp.zeros((_NPAD, _D), f32).at[:_N].set(x)
    brow = jnp.full((1, _NPAD), _G, jnp.int32).at[0, :_N].set(batch)

    score, fk, counts, starts = pl.pallas_call(
        _tc1_body,
        out_shape=[
            jax.ShapeDtypeStruct((1, _NPAD), f32),
            jax.ShapeDtypeStruct((1, _NPAD), jnp.int32),
            jax.ShapeDtypeStruct((1, _G), jnp.int32),
            jax.ShapeDtypeStruct((1, _G), jnp.int32),
        ],
    )(xp, brow, w.reshape(1, _D))

    vtab = _make_sc()(fk.reshape(_NPAD), counts.reshape(_G),
                      starts.reshape(_G))

    out = pl.pallas_call(
        _tc2_body,
        out_shape=jax.ShapeDtypeStruct((_G, _D), f32),
    )(xp, brow, score, fk, vtab)
    return out

# --- scband reference (transcript-rebuilt; emitter-appended) ---
"""Pipeline reference for scband-top-kpool-16372415332892 (READ-ONLY COPY).

The authoritative reference and input builder live on the scoring server;
editing this copy changes nothing except your own understanding.
"""

import jax, jax.numpy as jnp
import numpy as np

N_NODES = 10000
N_EDGES = 160000
D_FEAT = 256
N_GRAPHS = 64
RATIO = 0.5


def setup_inputs(seed: int = 0) -> dict:
    key = jax.random.key(seed)
    k1, k2, k3, k4 = jax.random.split(key, 4)
    x = jax.random.normal(k1, (N_NODES, D_FEAT), dtype=jnp.float32)
    edge_index = jax.random.randint(k2, (2, N_EDGES), 0, N_NODES, dtype=jnp.int32)
    batch = jnp.sort(jax.random.randint(k3, (N_NODES,), 0, N_GRAPHS, dtype=jnp.int32))
    # learned projection vector of TopKPooling (PyG stores weight of shape [1, in_channels])
    w = jax.random.normal(k4, (D_FEAT,), dtype=jnp.float32) / jnp.sqrt(D_FEAT)
    return {"x": x, "edge_index": edge_index, "batch": batch, "w": w}


def reference(x, edge_index, batch, w):
    # --- TopKPooling.select: score = (x @ w) / ||w||, tanh gate, per-graph top ceil(ratio*n) ---
    N = x.shape[0]
    score = (x @ w) / jnp.linalg.norm(w)
    counts = jnp.bincount(batch, length=N_GRAPHS)
    starts = jnp.concatenate([jnp.zeros((1,), counts.dtype), jnp.cumsum(counts)[:-1]])
    # sort nodes by (batch asc, score desc); rank within each graph segment
    order = jnp.lexsort((-score, batch))
    sorted_batch = batch[order]
    rank = jnp.arange(N) - starts[sorted_batch]
    k_per_graph = jnp.ceil(RATIO * counts.astype(jnp.float32)).astype(counts.dtype)
    mask_sorted = rank < k_per_graph[sorted_batch]
    mask = jnp.zeros((N,), bool).at[order].set(mask_sorted)
    # gate selected nodes: x[perm] * tanh(score[perm])
    gate = jnp.tanh(score)
    x_gated = x * gate[:, None] * mask[:, None].astype(x.dtype)
    # --- global_mean_pool over surviving nodes per graph ---
    sums = jax.ops.segment_sum(x_gated, batch, num_segments=N_GRAPHS)
    cnt = jax.ops.segment_sum(mask.astype(x.dtype), batch, num_segments=N_GRAPHS)
    out = sums / jnp.maximum(cnt, 1.0)[:, None]
    return out

if __name__ == "__main__":
    import jax
    _d = setup_inputs()
    print(jax.jit(kernel)(*tuple(_d.values())))

</pallas_src>

<mosaic_0001>
#map = affine_map<(d0, d1) -> (0)>
#map1 = affine_map<(d0, d1) -> (0, 0)>
module attributes {stable_mosaic.version = 14 : i64} {
  func.func @_sc_body(%arg0: i32, %arg1: i32, %arg2: memref<10240xi32, #tpu.memory_space<hbm>>, %arg3: memref<64xi32, #tpu.memory_space<hbm>>, %arg4: memref<64xi32, #tpu.memory_space<hbm>>, %arg5: memref<64x16xi32, #tpu.memory_space<hbm>>, %arg6: memref<10240xi32, #tpu.memory_space<vmem>>, %arg7: memref<64xi32, #tpu.memory_space<vmem>>, %arg8: memref<64xi32, #tpu.memory_space<vmem>>, %arg9: memref<16xi32, #tpu.memory_space<vmem>>, %arg10: memref<!tpu.dma_semaphore, #tpu.memory_space<semaphore_mem>>) attributes {dimension_semantics = [#tpu.dimension_semantics<core_parallel>, #tpu.dimension_semantics<subcore_parallel>], iteration_bounds = array<i64: 2, 16>, scalar_prefetch = 0 : i64, scratch_operands = 5 : i64, tpu.core_type = #tpu.core_type<sc_vector_subcore>, window_params = [{transform_indices = #map}, {transform_indices = #map}, {transform_indices = #map}, {transform_indices = #map1}]} {
    %mul3A = arith.constant 2 : i32
    %mul3A_0 = arith.muli %arg1, %mul3A : i32
    %add3A = arith.addi %mul3A_0, %arg0 : i32
    "tpu.region"() ({
      %run_scoped3A = tpu.sem_alloc : memref<!tpu.dma_semaphore, #tpu.memory_space<semaphore_mem>>
      tpu.enqueue_dma source(%arg2 : memref<10240xi32, #tpu.memory_space<hbm>>) target(%arg6 : memref<10240xi32, #tpu.memory_space<vmem>>) target_semaphore(%run_scoped3A : memref<!tpu.dma_semaphore, #tpu.memory_space<semaphore_mem>>)
      tpu.wait_dma2 semaphore(%run_scoped3A : memref<!tpu.dma_semaphore, #tpu.memory_space<semaphore_mem>>) src(%arg2 : memref<10240xi32, #tpu.memory_space<hbm>>) dst(%arg6 : memref<10240xi32, #tpu.memory_space<vmem>>)
      tpu.yield
    }) : () -> ()
    "tpu.region"() ({
      %run_scoped3A = tpu.sem_alloc : memref<!tpu.dma_semaphore, #tpu.memory_space<semaphore_mem>>
      tpu.enqueue_dma source(%arg3 : memref<64xi32, #tpu.memory_space<hbm>>) target(%arg7 : memref<64xi32, #tpu.memory_space<vmem>>) target_semaphore(%run_scoped3A : memref<!tpu.dma_semaphore, #tpu.memory_space<semaphore_mem>>)
      tpu.wait_dma2 semaphore(%run_scoped3A : memref<!tpu.dma_semaphore, #tpu.memory_space<semaphore_mem>>) src(%arg3 : memref<64xi32, #tpu.memory_space<hbm>>) dst(%arg7 : memref<64xi32, #tpu.memory_space<vmem>>)
      tpu.yield
    }) : () -> ()
    "tpu.region"() ({
      %run_scoped3A = tpu.sem_alloc : memref<!tpu.dma_semaphore, #tpu.memory_space<semaphore_mem>>
      tpu.enqueue_dma source(%arg4 : memref<64xi32, #tpu.memory_space<hbm>>) target(%arg8 : memref<64xi32, #tpu.memory_space<vmem>>) target_semaphore(%run_scoped3A : memref<!tpu.dma_semaphore, #tpu.memory_space<semaphore_mem>>)
      tpu.wait_dma2 semaphore(%run_scoped3A : memref<!tpu.dma_semaphore, #tpu.memory_space<semaphore_mem>>) src(%arg4 : memref<64xi32, #tpu.memory_space<hbm>>) dst(%arg8 : memref<64xi32, #tpu.memory_space<vmem>>)
      tpu.yield
    }) : () -> ()
    %iota3A = tpu.iota {dimensions = array<i32: 0>} : vector<16xi32>
    %mul3A_1 = arith.constant 2 : i32
    %mul3A_2 = arith.muli %add3A, %mul3A_1 : i32
    %add3A_3 = arith.constant 0 : i32
    %add3A_4 = arith.addi %mul3A_2, %add3A_3 : i32
    %broadcast_in_dim3A = vector.broadcast %add3A_4 : i32 to vector<16xi32>
    %gather3A = tpu.vector_load_idx %arg7[%broadcast_in_dim3A] : memref<64xi32, #tpu.memory_space<vmem>>[vector<16xi32>], vector<16xi32>,
    %reduce_max3A = arith.constant true
    %reduce_max3A_5 = vector.broadcast %reduce_max3A : i1 to vector<16xi1>
    %reduce_max3A_6 = arith.constant -2147483648 : i32
    %reduce_max3A_7 = vector.broadcast %reduce_max3A_6 : i32 to vector<16xi32>
    %reduce_max3A_8 = arith.xori %gather3A, %reduce_max3A_7 : vector<16xi32>
    %reduce_max3A_9 = tpu.scan <max>, %reduce_max3A_8 masked %reduce_max3A_5 : vector<16xi32>, vector<16xi1> -> vector<16xi32>
    %reduce_max3A_10 = arith.xori %reduce_max3A_9, %reduce_max3A_7 : vector<16xi32>
    %reduce_max3A_11 = vector.extract %reduce_max3A_10[15] : i32 from vector<16xi32>
    %gather3A_12 = tpu.vector_load_idx %arg8[%broadcast_in_dim3A] : memref<64xi32, #tpu.memory_space<vmem>>[vector<16xi32>], vector<16xi32>,
    %reduce_max3A_13 = arith.constant true
    %reduce_max3A_14 = vector.broadcast %reduce_max3A_13 : i1 to vector<16xi1>
    %reduce_max3A_15 = arith.constant -2147483648 : i32
    %reduce_max3A_16 = vector.broadcast %reduce_max3A_15 : i32 to vector<16xi32>
    %reduce_max3A_17 = arith.xori %gather3A_12, %reduce_max3A_16 : vector<16xi32>
    %reduce_max3A_18 = tpu.scan <max>, %reduce_max3A_17 masked %reduce_max3A_14 : vector<16xi32>, vector<16xi1> -> vector<16xi32>
    %reduce_max3A_19 = arith.xori %reduce_max3A_18, %reduce_max3A_16 : vector<16xi32>
    %reduce_max3A_20 = vector.extract %reduce_max3A_19[15] : i32 from vector<16xi32>
    %add3A_21 = arith.constant 1 : i32
    %add3A_22 = arith.addi %reduce_max3A_11, %add3A_21 : i32
    %jit3A = arith.constant 2 : i32
    %div3A = arith.divsi %add3A_22, %jit3A : i32
    %sign3A = arith.constant 0 : i32
    %sign3A_23 = arith.cmpi sgt, %add3A_22, %sign3A : i32
    %sign3A_24 = arith.extui %sign3A_23 : i1 to i32
    %sign3A_25 = arith.constant 0 : i32
    %sign3A_26 = arith.cmpi slt, %add3A_22, %sign3A_25 : i32
    %sign3A_27 = arith.extui %sign3A_26 : i1 to i32
    %sign3A_28 = arith.subi %sign3A_24, %sign3A_27 : i32
    %sign3A_29 = arith.constant 0 : i32
    %sign3A_30 = arith.cmpi sgt, %jit3A, %sign3A_29 : i32
    %sign3A_31 = arith.extui %sign3A_30 : i1 to i32
    %sign3A_32 = arith.constant 0 : i32
    %sign3A_33 = arith.cmpi slt, %jit3A, %sign3A_32 : i32
    %sign3A_34 = arith.extui %sign3A_33 : i1 to i32
    %sign3A_35 = arith.subi %sign3A_31, %sign3A_34 : i32
    %ne3A = arith.cmpi ne, %sign3A_28, %sign3A_35 : i32
    %rem3A = arith.remsi %add3A_22, %jit3A : i32
    %ne3A_36 = arith.constant 0 : i32
    %ne3A_37 = arith.cmpi ne, %rem3A, %ne3A_36 : i32
    %and3A = arith.andi %ne3A, %ne3A_37 : i1
    %sub3A = arith.constant 1 : i32
    %sub3A_38 = arith.subi %div3A, %sub3A : i32
    %select_n3A = arith.select %and3A, %sub3A_38, %div3A : i32
    %add3A_39 = arith.constant 15 : i32
    %add3A_40 = arith.addi %reduce_max3A_11, %add3A_39 : i32
    %jit3A_41 = arith.constant 16 : i32
    %div3A_42 = arith.divsi %add3A_40, %jit3A_41 : i32
    %sign3A_43 = arith.constant 0 : i32
    %sign3A_44 = arith.cmpi sgt, %add3A_40, %sign3A_43 : i32
    %sign3A_45 = arith.extui %sign3A_44 : i1 to i32
    %sign3A_46 = arith.constant 0 : i32
    %sign3A_47 = arith.cmpi slt, %add3A_40, %sign3A_46 : i32
    %sign3A_48 = arith.extui %sign3A_47 : i1 to i32
    %sign3A_49 = arith.subi %sign3A_45, %sign3A_48 : i32
    %sign3A_50 = arith.constant 0 : i32
    %sign3A_51 = arith.cmpi sgt, %jit3A_41, %sign3A_50 : i32
    %sign3A_52 = arith.extui %sign3A_51 : i1 to i32
    %sign3A_53 = arith.constant 0 : i32
    %sign3A_54 = arith.cmpi slt, %jit3A_41, %sign3A_53 : i32
    %sign3A_55 = arith.extui %sign3A_54 : i1 to i32
    %sign3A_56 = arith.subi %sign3A_52, %sign3A_55 : i32
    %ne3A_57 = arith.cmpi ne, %sign3A_49, %sign3A_56 : i32
    %rem3A_58 = arith.remsi %add3A_40, %jit3A_41 : i32
    %ne3A_59 = arith.constant 0 : i32
    %ne3A_60 = arith.cmpi ne, %rem3A_58, %ne3A_59 : i32
    %and3A_61 = arith.andi %ne3A_57, %ne3A_60 : i1
    %sub3A_62 = arith.constant 1 : i32
    %sub3A_63 = arith.subi %div3A_42, %sub3A_62 : i32
    %select_n3A_64 = arith.select %and3A_61, %sub3A_63, %div3A_42 : i32
    %while3A = arith.constant 2147483647 : i32
    %while3A_65 = arith.constant -2147483648 : i32
    %while3A_66 = arith.constant 0 : i32
    %while3A_67 = arith.constant 2147483647 : i32
    %while3A_68 = arith.constant -2147483648 : i32
    %while3A_69 = arith.subi %select_n3A_64, %while3A_66 : i32
    %while3A_70 = arith.addi %while3A_66, %while3A_69 : i32
    %while3A_71 = arith.constant 1 : i32
    %while3A_72 = arith.divsi %while3A_69, %while3A_71 : i32
    %while3A_73 = arith.muli %while3A_72, %while3A_71 : i32
    %while3A_74 = arith.addi %while3A_66, %while3A_73 : i32
    %while3A_75 = arith.constant 1 : i32
    %while3A_76:2 = scf.for %while3A_254 = %while3A_66 to %while3A_74 step %while3A_75 iter_args(%while3A_255 = %while3A_67, %while3A_256 = %while3A_68) -> (i32, i32)  : i32 {
      %mul3A_257 = arith.constant 16 : i32
      %mul3A_258 = arith.muli %while3A_254, %mul3A_257 : i32
      %add3A_259 = arith.addi %reduce_max3A_20, %mul3A_258 : i32
      %add3A_260 = vector.broadcast %add3A_259 : i32 to vector<16xi32>
      %add3A_261 = arith.addi %add3A_260, %iota3A : vector<16xi32>
      %mul3A_262 = arith.constant 16 : i32
      %mul3A_263 = arith.muli %while3A_254, %mul3A_262 : i32
      %add3A_264 = vector.broadcast %mul3A_263 : i32 to vector<16xi32>
      %add3A_265 = arith.addi %add3A_264, %iota3A : vector<16xi32>
      %lt3A = vector.broadcast %reduce_max3A_11 : i32 to vector<16xi32>
      %lt3A_266 = arith.cmpi slt, %add3A_265, %lt3A : vector<16xi32>
      %gather3A_267 = tpu.vector_load_idx %arg6[%add3A_261] masked %lt3A_266 : memref<10240xi32, #tpu.memory_space<vmem>>[vector<16xi32>], vector<16xi32>, vector<16xi1>
      %broadcast_in_dim3A_268 = vector.broadcast %while3A : i32 to vector<16xi32>
      %select_n3A_269 = arith.select %lt3A_266, %gather3A_267, %broadcast_in_dim3A_268 : vector<16xi1>, vector<16xi32>
      %reduce_min3A = arith.constant true
      %reduce_min3A_270 = vector.broadcast %reduce_min3A : i1 to vector<16xi1>
      %reduce_min3A_271 = arith.constant -2147483648 : i32
      %reduce_min3A_272 = vector.broadcast %reduce_min3A_271 : i32 to vector<16xi32>
      %reduce_min3A_273 = arith.xori %select_n3A_269, %reduce_min3A_272 : vector<16xi32>
      %reduce_min3A_274 = tpu.scan <min>, %reduce_min3A_273 masked %reduce_min3A_270 : vector<16xi32>, vector<16xi1> -> vector<16xi32>
      %reduce_min3A_275 = arith.xori %reduce_min3A_274, %reduce_min3A_272 : vector<16xi32>
      %reduce_min3A_276 = vector.extract %reduce_min3A_275[15] : i32 from vector<16xi32>
      %min3A_277 = arith.minsi %while3A_255, %reduce_min3A_276 : i32
      %broadcast_in_dim3A_278 = vector.broadcast %while3A_65 : i32 to vector<16xi32>
      %select_n3A_279 = arith.select %lt3A_266, %gather3A_267, %broadcast_in_dim3A_278 : vector<16xi1>, vector<16xi32>
      %reduce_max3A_280 = arith.constant true
      %reduce_max3A_281 = vector.broadcast %reduce_max3A_280 : i1 to vector<16xi1>
      %reduce_max3A_282 = arith.constant -2147483648 : i32
      %reduce_max3A_283 = vector.broadcast %reduce_max3A_282 : i32 to vector<16xi32>
      %reduce_max3A_284 = arith.xori %select_n3A_279, %reduce_max3A_283 : vector<16xi32>
      %reduce_max3A_285 = tpu.scan <max>, %reduce_max3A_284 masked %reduce_max3A_281 : vector<16xi32>, vector<16xi1> -> vector<16xi32>
      %reduce_max3A_286 = arith.xori %reduce_max3A_285, %reduce_max3A_283 : vector<16xi32>
      %reduce_max3A_287 = vector.extract %reduce_max3A_286[15] : i32 from vector<16xi32>
      %max3A = arith.maxsi %while3A_256, %reduce_max3A_287 : i32
      scf.yield %min3A_277, %max3A : i32, i32
    }
    %while3A_77 = arith.constant 1 : i32
    %while3A_78:2 = scf.for %while3A_254 = %while3A_74 to %while3A_70 step %while3A_77 iter_args(%while3A_255 = %while3A_76#0, %while3A_256 = %while3A_76#1) -> (i32, i32)  : i32 {
      %mul3A_257 = arith.constant 16 : i32
      %mul3A_258 = arith.muli %while3A_254, %mul3A_257 : i32
      %add3A_259 = arith.addi %reduce_max3A_20, %mul3A_258 : i32
      %add3A_260 = vector.broadcast %add3A_259 : i32 to vector<16xi32>
      %add3A_261 = arith.addi %add3A_260, %iota3A : vector<16xi32>
      %mul3A_262 = arith.constant 16 : i32
      %mul3A_263 = arith.muli %while3A_254, %mul3A_262 : i32
      %add3A_264 = vector.broadcast %mul3A_263 : i32 to vector<16xi32>
      %add3A_265 = arith.addi %add3A_264, %iota3A : vector<16xi32>
      %lt3A = vector.broadcast %reduce_max3A_11 : i32 to vector<16xi32>
      %lt3A_266 = arith.cmpi slt, %add3A_265, %lt3A : vector<16xi32>
      %gather3A_267 = tpu.vector_load_idx %arg6[%add3A_261] masked %lt3A_266 : memref<10240xi32, #tpu.memory_space<vmem>>[vector<16xi32>], vector<16xi32>, vector<16xi1>
      %broadcast_in_dim3A_268 = vector.broadcast %while3A : i32 to vector<16xi32>
      %select_n3A_269 = arith.select %lt3A_266, %gather3A_267, %broadcast_in_dim3A_268 : vector<16xi1>, vector<16xi32>
      %reduce_min3A = arith.constant true
      %reduce_min3A_270 = vector.broadcast %reduce_min3A : i1 to vector<16xi1>
      %reduce_min3A_271 = arith.constant -2147483648 : i32
      %reduce_min3A_272 = vector.broadcast %reduce_min3A_271 : i32 to vector<16xi32>
      %reduce_min3A_273 = arith.xori %select_n3A_269, %reduce_min3A_272 : vector<16xi32>
      %reduce_min3A_274 = tpu.scan <min>, %reduce_min3A_273 masked %reduce_min3A_270 : vector<16xi32>, vector<16xi1> -> vector<16xi32>
      %reduce_min3A_275 = arith.xori %reduce_min3A_274, %reduce_min3A_272 : vector<16xi32>
      %reduce_min3A_276 = vector.extract %reduce_min3A_275[15] : i32 from vector<16xi32>
      %min3A_277 = arith.minsi %while3A_255, %reduce_min3A_276 : i32
      %broadcast_in_dim3A_278 = vector.broadcast %while3A_65 : i32 to vector<16xi32>
      %select_n3A_279 = arith.select %lt3A_266, %gather3A_267, %broadcast_in_dim3A_278 : vector<16xi1>, vector<16xi32>
      %reduce_max3A_280 = arith.constant true
      %reduce_max3A_281 = vector.broadcast %reduce_max3A_280 : i1 to vector<16xi1>
      %reduce_max3A_282 = arith.constant -2147483648 : i32
      %reduce_max3A_283 = vector.broadcast %reduce_max3A_282 : i32 to vector<16xi32>
      %reduce_max3A_284 = arith.xori %select_n3A_279, %reduce_max3A_283 : vector<16xi32>
      %reduce_max3A_285 = tpu.scan <max>, %reduce_max3A_284 masked %reduce_max3A_281 : vector<16xi32>, vector<16xi1> -> vector<16xi32>
      %reduce_max3A_286 = arith.xori %reduce_max3A_285, %reduce_max3A_283 : vector<16xi32>
      %reduce_max3A_287 = vector.extract %reduce_max3A_286[15] : i32 from vector<16xi32>
      %max3A = arith.maxsi %while3A_256, %reduce_max3A_287 : i32
      scf.yield %min3A_277, %max3A : i32, i32
    }
    %min3A = arith.minsi %while3A_78#0, %while3A_78#1 : i32
    %while3A_79:2 = scf.while (%while3A_254 = %min3A, %while3A_255 = %while3A_78#1) : (i32, i32) -> (i32, i32) {
      %lt3A = arith.cmpi slt, %while3A_254, %while3A_255 : i32
      scf.condition(%lt3A) %while3A_254, %while3A_255 : i32, i32
    } do {
    ^bb0(%while3A_254: i32, %while3A_255: i32):
      %shift_right_arithmetic3A = arith.constant 1 : i32
      %shift_right_arithmetic3A_256 = arith.shrsi %while3A_254, %shift_right_arithmetic3A : i32
      %shift_right_arithmetic3A_257 = arith.constant 1 : i32
      %shift_right_arithmetic3A_258 = arith.shrsi %while3A_255, %shift_right_arithmetic3A_257 : i32
      %add3A_259 = arith.addi %shift_right_arithmetic3A_256, %shift_right_arithmetic3A_258 : i32
      %and3A_260 = arith.andi %while3A_254, %while3A_255 : i32
      %and3A_261 = arith.constant 1 : i32
      %and3A_262 = arith.andi %and3A_260, %and3A_261 : i32
      %add3A_263 = arith.addi %add3A_259, %and3A_262 : i32
      %while3A_264 = arith.constant 0 : i32
      %while3A_265 = arith.constant 0 : i32
      %while3A_266 = arith.subi %select_n3A_64, %while3A_264 : i32
      %while3A_267 = arith.addi %while3A_264, %while3A_266 : i32
      %while3A_268 = arith.constant 1 : i32
      %while3A_269 = arith.divsi %while3A_266, %while3A_268 : i32
      %while3A_270 = arith.muli %while3A_269, %while3A_268 : i32
      %while3A_271 = arith.addi %while3A_264, %while3A_270 : i32
      %while3A_272 = arith.constant 1 : i32
      %while3A_273 = scf.for %while3A_281 = %while3A_264 to %while3A_271 step %while3A_272 iter_args(%while3A_282 = %while3A_265) -> (i32)  : i32 {
        %mul3A_283 = arith.constant 16 : i32
        %mul3A_284 = arith.muli %while3A_281, %mul3A_283 : i32
        %add3A_285 = arith.addi %reduce_max3A_20, %mul3A_284 : i32
        %add3A_286 = vector.broadcast %add3A_285 : i32 to vector<16xi32>
        %add3A_287 = arith.addi %add3A_286, %iota3A : vector<16xi32>
        %mul3A_288 = arith.constant 16 : i32
        %mul3A_289 = arith.muli %while3A_281, %mul3A_288 : i32
        %add3A_290 = vector.broadcast %mul3A_289 : i32 to vector<16xi32>
        %add3A_291 = arith.addi %add3A_290, %iota3A : vector<16xi32>
        %lt3A = vector.broadcast %reduce_max3A_11 : i32 to vector<16xi32>
        %lt3A_292 = arith.cmpi slt, %add3A_291, %lt3A : vector<16xi32>
        %gather3A_293 = tpu.vector_load_idx %arg6[%add3A_287] masked %lt3A_292 : memref<10240xi32, #tpu.memory_space<vmem>>[vector<16xi32>], vector<16xi32>, vector<16xi1>
        %le3A = vector.broadcast %add3A_263 : i32 to vector<16xi32>
        %le3A_294 = arith.cmpi sle, %gather3A_293, %le3A : vector<16xi32>
        %and3A_295 = arith.andi %lt3A_292, %le3A_294 : vector<16xi1>
        %jit3A_296 = arith.constant 1 : i32
        %jit3A_297 = arith.constant 0 : i32
        %broadcast_in_dim3A_298 = vector.broadcast %jit3A_296 : i32 to vector<16xi32>
        %broadcast_in_dim3A_299 = vector.broadcast %jit3A_297 : i32 to vector<16xi32>
        %select_n3A_300 = arith.select %and3A_295, %broadcast_in_dim3A_298, %broadcast_in_dim3A_299 : vector<16xi1>, vector<16xi32>
        %reduce_sum3A = arith.constant true
        %reduce_sum3A_301 = vector.broadcast %reduce_sum3A : i1 to vector<16xi1>
        %reduce_sum3A_302 = tpu.scan <sum>, %select_n3A_300 masked %reduce_sum3A_301 : vector<16xi32>, vector<16xi1> -> vector<16xi32>
        %reduce_sum3A_303 = vector.extract %reduce_sum3A_302[15] : i32 from vector<16xi32>
        %add3A_304 = arith.addi %while3A_282, %reduce_sum3A_303 : i32
        scf.yield %add3A_304 : i32
      }
      %while3A_274 = arith.constant 1 : i32
      %while3A_275 = scf.for %while3A_281 = %while3A_271 to %while3A_267 step %while3A_274 iter_args(%while3A_282 = %while3A_273) -> (i32)  : i32 {
        %mul3A_283 = arith.constant 16 : i32
        %mul3A_284 = arith.muli %while3A_281, %mul3A_283 : i32
        %add3A_285 = arith.addi %reduce_max3A_20, %mul3A_284 : i32
        %add3A_286 = vector.broadcast %add3A_285 : i32 to vector<16xi32>
        %add3A_287 = arith.addi %add3A_286, %iota3A : vector<16xi32>
        %mul3A_288 = arith.constant 16 : i32
        %mul3A_289 = arith.muli %while3A_281, %mul3A_288 : i32
        %add3A_290 = vector.broadcast %mul3A_289 : i32 to vector<16xi32>
        %add3A_291 = arith.addi %add3A_290, %iota3A : vector<16xi32>
        %lt3A = vector.broadcast %reduce_max3A_11 : i32 to vector<16xi32>
        %lt3A_292 = arith.cmpi slt, %add3A_291, %lt3A : vector<16xi32>
        %gather3A_293 = tpu.vector_load_idx %arg6[%add3A_287] masked %lt3A_292 : memref<10240xi32, #tpu.memory_space<vmem>>[vector<16xi32>], vector<16xi32>, vector<16xi1>
        %le3A = vector.broadcast %add3A_263 : i32 to vector<16xi32>
        %le3A_294 = arith.cmpi sle, %gather3A_293, %le3A : vector<16xi32>
        %and3A_295 = arith.andi %lt3A_292, %le3A_294 : vector<16xi1>
        %jit3A_296 = arith.constant 1 : i32
        %jit3A_297 = arith.constant 0 : i32
        %broadcast_in_dim3A_298 = vector.broadcast %jit3A_296 : i32 to vector<16xi32>
        %broadcast_in_dim3A_299 = vector.broadcast %jit3A_297 : i32 to vector<16xi32>
        %select_n3A_300 = arith.select %and3A_295, %broadcast_in_dim3A_298, %broadcast_in_dim3A_299 : vector<16xi1>, vector<16xi32>
        %reduce_sum3A = arith.constant true
        %reduce_sum3A_301 = vector.broadcast %reduce_sum3A : i1 to vector<16xi1>
        %reduce_sum3A_302 = tpu.scan <sum>, %select_n3A_300 masked %reduce_sum3A_301 : vector<16xi32>, vector<16xi1> -> vector<16xi32>
        %reduce_sum3A_303 = vector.extract %reduce_sum3A_302[15] : i32 from vector<16xi32>
        %add3A_304 = arith.addi %while3A_282, %reduce_sum3A_303 : i32
        scf.yield %add3A_304 : i32
      }
      %ge3A = arith.cmpi sge, %while3A_275, %select_n3A : i32
      %add3A_276 = arith.constant 1 : i32
      %add3A_277 = arith.addi %add3A_263, %add3A_276 : i32
      %select_n3A_278 = arith.select %ge3A, %while3A_254, %add3A_277 : i32
      %ge3A_279 = arith.cmpi sge, %while3A_275, %select_n3A : i32
      %select_n3A_280 = arith.select %ge3A_279, %add3A_263, %while3A_255 : i32
      scf.yield %select_n3A_278, %select_n3A_280 : i32, i32
    }
    %sub3A_80 = arith.constant 1 : i32
    %sub3A_81 = arith.subi %while3A_79#0, %sub3A_80 : i32
    %while3A_82 = arith.constant 0 : i32
    %while3A_83 = arith.constant 0 : i32
    %while3A_84 = arith.subi %select_n3A_64, %while3A_82 : i32
    %while3A_85 = arith.addi %while3A_82, %while3A_84 : i32
    %while3A_86 = arith.constant 1 : i32
    %while3A_87 = arith.divsi %while3A_84, %while3A_86 : i32
    %while3A_88 = arith.muli %while3A_87, %while3A_86 : i32
    %while3A_89 = arith.addi %while3A_82, %while3A_88 : i32
    %while3A_90 = arith.constant 1 : i32
    %while3A_91 = scf.for %while3A_254 = %while3A_82 to %while3A_89 step %while3A_90 iter_args(%while3A_255 = %while3A_83) -> (i32)  : i32 {
      %mul3A_256 = arith.constant 16 : i32
      %mul3A_257 = arith.muli %while3A_254, %mul3A_256 : i32
      %add3A_258 = arith.addi %reduce_max3A_20, %mul3A_257 : i32
      %add3A_259 = vector.broadcast %add3A_258 : i32 to vector<16xi32>
      %add3A_260 = arith.addi %add3A_259, %iota3A : vector<16xi32>
      %mul3A_261 = arith.constant 16 : i32
      %mul3A_262 = arith.muli %while3A_254, %mul3A_261 : i32
      %add3A_263 = vector.broadcast %mul3A_262 : i32 to vector<16xi32>
      %add3A_264 = arith.addi %add3A_263, %iota3A : vector<16xi32>
      %lt3A = vector.broadcast %reduce_max3A_11 : i32 to vector<16xi32>
      %lt3A_265 = arith.cmpi slt, %add3A_264, %lt3A : vector<16xi32>
      %gather3A_266 = tpu.vector_load_idx %arg6[%add3A_260] masked %lt3A_265 : memref<10240xi32, #tpu.memory_space<vmem>>[vector<16xi32>], vector<16xi32>, vector<16xi1>
      %le3A = vector.broadcast %sub3A_81 : i32 to vector<16xi32>
      %le3A_267 = arith.cmpi sle, %gather3A_266, %le3A : vector<16xi32>
      %and3A_268 = arith.andi %lt3A_265, %le3A_267 : vector<16xi1>
      %jit3A_269 = arith.constant 1 : i32
      %jit3A_270 = arith.constant 0 : i32
      %broadcast_in_dim3A_271 = vector.broadcast %jit3A_269 : i32 to vector<16xi32>
      %broadcast_in_dim3A_272 = vector.broadcast %jit3A_270 : i32 to vector<16xi32>
      %select_n3A_273 = arith.select %and3A_268, %broadcast_in_dim3A_271, %broadcast_in_dim3A_272 : vector<16xi1>, vector<16xi32>
      %reduce_sum3A = arith.constant true
      %reduce_sum3A_274 = vector.broadcast %reduce_sum3A : i1 to vector<16xi1>
      %reduce_sum3A_275 = tpu.scan <sum>, %select_n3A_273 masked %reduce_sum3A_274 : vector<16xi32>, vector<16xi1> -> vector<16xi32>
      %reduce_sum3A_276 = vector.extract %reduce_sum3A_275[15] : i32 from vector<16xi32>
      %add3A_277 = arith.addi %while3A_255, %reduce_sum3A_276 : i32
      scf.yield %add3A_277 : i32
    }
    %while3A_92 = arith.constant 1 : i32
    %while3A_93 = scf.for %while3A_254 = %while3A_89 to %while3A_85 step %while3A_92 iter_args(%while3A_255 = %while3A_91) -> (i32)  : i32 {
      %mul3A_256 = arith.constant 16 : i32
      %mul3A_257 = arith.muli %while3A_254, %mul3A_256 : i32
      %add3A_258 = arith.addi %reduce_max3A_20, %mul3A_257 : i32
      %add3A_259 = vector.broadcast %add3A_258 : i32 to vector<16xi32>
      %add3A_260 = arith.addi %add3A_259, %iota3A : vector<16xi32>
      %mul3A_261 = arith.constant 16 : i32
      %mul3A_262 = arith.muli %while3A_254, %mul3A_261 : i32
      %add3A_263 = vector.broadcast %mul3A_262 : i32 to vector<16xi32>
      %add3A_264 = arith.addi %add3A_263, %iota3A : vector<16xi32>
      %lt3A = vector.broadcast %reduce_max3A_11 : i32 to vector<16xi32>
      %lt3A_265 = arith.cmpi slt, %add3A_264, %lt3A : vector<16xi32>
      %gather3A_266 = tpu.vector_load_idx %arg6[%add3A_260] masked %lt3A_265 : memref<10240xi32, #tpu.memory_space<vmem>>[vector<16xi32>], vector<16xi32>, vector<16xi1>
      %le3A = vector.broadcast %sub3A_81 : i32 to vector<16xi32>
      %le3A_267 = arith.cmpi sle, %gather3A_266, %le3A : vector<16xi32>
      %and3A_268 = arith.andi %lt3A_265, %le3A_267 : vector<16xi1>
      %jit3A_269 = arith.constant 1 : i32
      %jit3A_270 = arith.constant 0 : i32
      %broadcast_in_dim3A_271 = vector.broadcast %jit3A_269 : i32 to vector<16xi32>
      %broadcast_in_dim3A_272 = vector.broadcast %jit3A_270 : i32 to vector<16xi32>
      %select_n3A_273 = arith.select %and3A_268, %broadcast_in_dim3A_271, %broadcast_in_dim3A_272 : vector<16xi1>, vector<16xi32>
      %reduce_sum3A = arith.constant true
      %reduce_sum3A_274 = vector.broadcast %reduce_sum3A : i1 to vector<16xi1>
      %reduce_sum3A_275 = tpu.scan <sum>, %select_n3A_273 masked %reduce_sum3A_274 : vector<16xi32>, vector<16xi1> -> vector<16xi32>
      %reduce_sum3A_276 = vector.extract %reduce_sum3A_275[15] : i32 from vector<16xi32>
      %add3A_277 = arith.addi %while3A_255, %reduce_sum3A_276 : i32
      scf.yield %add3A_277 : i32
    }
    %sub3A_94 = arith.subi %select_n3A, %while3A_93 : i32
    %while3A_95 = arith.constant 0 : i32
    %while3A_96 = arith.constant 0 : i32
    %while3A_97 = arith.constant -1 : i32
    %while3A_98 = arith.subi %select_n3A_64, %while3A_95 : i32
    %while3A_99 = arith.addi %while3A_95, %while3A_98 : i32
    %while3A_100 = arith.constant 1 : i32
    %while3A_101 = arith.divsi %while3A_98, %while3A_100 : i32
    %while3A_102 = arith.muli %while3A_101, %while3A_100 : i32
    %while3A_103 = arith.addi %while3A_95, %while3A_102 : i32
    %while3A_104 = arith.constant 1 : i32
    %while3A_105:2 = scf.for %while3A_254 = %while3A_95 to %while3A_103 step %while3A_104 iter_args(%while3A_255 = %while3A_96, %while3A_256 = %while3A_97) -> (i32, i32)  : i32 {
      %mul3A_257 = arith.constant 16 : i32
      %mul3A_258 = arith.muli %while3A_254, %mul3A_257 : i32
      %add3A_259 = arith.addi %reduce_max3A_20, %mul3A_258 : i32
      %add3A_260 = vector.broadcast %add3A_259 : i32 to vector<16xi32>
      %add3A_261 = arith.addi %add3A_260, %iota3A : vector<16xi32>
      %mul3A_262 = arith.constant 16 : i32
      %mul3A_263 = arith.muli %while3A_254, %mul3A_262 : i32
      %add3A_264 = vector.broadcast %mul3A_263 : i32 to vector<16xi32>
      %add3A_265 = arith.addi %add3A_264, %iota3A : vector<16xi32>
      %lt3A = vector.broadcast %reduce_max3A_11 : i32 to vector<16xi32>
      %lt3A_266 = arith.cmpi slt, %add3A_265, %lt3A : vector<16xi32>
      %gather3A_267 = tpu.vector_load_idx %arg6[%add3A_261] masked %lt3A_266 : memref<10240xi32, #tpu.memory_space<vmem>>[vector<16xi32>], vector<16xi32>, vector<16xi1>
      %eq3A_268 = vector.broadcast %while3A_79#0 : i32 to vector<16xi32>
      %eq3A_269 = arith.cmpi eq, %gather3A_267, %eq3A_268 : vector<16xi32>
      %and3A_270 = arith.andi %lt3A_266, %eq3A_269 : vector<16xi1>
      %jit3A_271 = arith.constant 1 : i32
      %jit3A_272 = arith.constant 0 : i32
      %broadcast_in_dim3A_273 = vector.broadcast %jit3A_271 : i32 to vector<16xi32>
      %broadcast_in_dim3A_274 = vector.broadcast %jit3A_272 : i32 to vector<16xi32>
      %select_n3A_275 = arith.select %and3A_270, %broadcast_in_dim3A_273, %broadcast_in_dim3A_274 : vector<16xi1>, vector<16xi32>
      %broadcast_in_dim3A_276 = arith.constant true
      %broadcast_in_dim3A_277 = vector.broadcast %broadcast_in_dim3A_276 : i1 to vector<16xi1>
      %masked_cumsum3A = tpu.scan <sum>, %select_n3A_275 masked %broadcast_in_dim3A_277 : vector<16xi32>, vector<16xi1> -> vector<16xi32>
      %add3A_278 = vector.broadcast %while3A_255 : i32 to vector<16xi32>
      %add3A_279 = arith.addi %masked_cumsum3A, %add3A_278 : vector<16xi32>
      %eq3A_280 = vector.broadcast %sub3A_94 : i32 to vector<16xi32>
      %eq3A_281 = arith.cmpi eq, %add3A_279, %eq3A_280 : vector<16xi32>
      %and3A_282 = arith.andi %and3A_270, %eq3A_281 : vector<16xi1>
      %jit3A_283 = arith.constant -1 : i32
      %broadcast_in_dim3A_284 = vector.broadcast %jit3A_283 : i32 to vector<16xi32>
      %select_n3A_285 = arith.select %and3A_282, %add3A_261, %broadcast_in_dim3A_284 : vector<16xi1>, vector<16xi32>
      %reduce_max3A_286 = arith.constant true
      %reduce_max3A_287 = vector.broadcast %reduce_max3A_286 : i1 to vector<16xi1>
      %reduce_max3A_288 = arith.constant -2147483648 : i32
      %reduce_max3A_289 = vector.broadcast %reduce_max3A_288 : i32 to vector<16xi32>
      %reduce_max3A_290 = arith.xori %select_n3A_285, %reduce_max3A_289 : vector<16xi32>
      %reduce_max3A_291 = tpu.scan <max>, %reduce_max3A_290 masked %reduce_max3A_287 : vector<16xi32>, vector<16xi1> -> vector<16xi32>
      %reduce_max3A_292 = arith.xori %reduce_max3A_291, %reduce_max3A_289 : vector<16xi32>
      %reduce_max3A_293 = vector.extract %reduce_max3A_292[15] : i32 from vector<16xi32>
      %max3A = arith.maxsi %while3A_256, %reduce_max3A_293 : i32
      %reduce_max3A_294 = arith.constant true
      %reduce_max3A_295 = vector.broadcast %reduce_max3A_294 : i1 to vector<16xi1>
      %reduce_max3A_296 = arith.constant -2147483648 : i32
      %reduce_max3A_297 = vector.broadcast %reduce_max3A_296 : i32 to vector<16xi32>
      %reduce_max3A_298 = arith.xori %add3A_279, %reduce_max3A_297 : vector<16xi32>
      %reduce_max3A_299 = tpu.scan <max>, %reduce_max3A_298 masked %reduce_max3A_295 : vector<16xi32>, vector<16xi1> -> vector<16xi32>
      %reduce_max3A_300 = arith.xori %reduce_max3A_299, %reduce_max3A_297 : vector<16xi32>
      %reduce_max3A_301 = vector.extract %reduce_max3A_300[15] : i32 from vector<16xi32>
      scf.yield %reduce_max3A_301, %max3A : i32, i32
    }
    %while3A_106 = arith.constant 1 : i32
    %while3A_107:2 = scf.for %while3A_254 = %while3A_103 to %while3A_99 step %while3A_106 iter_args(%while3A_255 = %while3A_105#0, %while3A_256 = %while3A_105#1) -> (i32, i32)  : i32 {
      %mul3A_257 = arith.constant 16 : i32
      %mul3A_258 = arith.muli %while3A_254, %mul3A_257 : i32
      %add3A_259 = arith.addi %reduce_max3A_20, %mul3A_258 : i32
      %add3A_260 = vector.broadcast %add3A_259 : i32 to vector<16xi32>
      %add3A_261 = arith.addi %add3A_260, %iota3A : vector<16xi32>
      %mul3A_262 = arith.constant 16 : i32
      %mul3A_263 = arith.muli %while3A_254, %mul3A_262 : i32
      %add3A_264 = vector.broadcast %mul3A_263 : i32 to vector<16xi32>
      %add3A_265 = arith.addi %add3A_264, %iota3A : vector<16xi32>
      %lt3A = vector.broadcast %reduce_max3A_11 : i32 to vector<16xi32>
      %lt3A_266 = arith.cmpi slt, %add3A_265, %lt3A : vector<16xi32>
      %gather3A_267 = tpu.vector_load_idx %arg6[%add3A_261] masked %lt3A_266 : memref<10240xi32, #tpu.memory_space<vmem>>[vector<16xi32>], vector<16xi32>, vector<16xi1>
      %eq3A_268 = vector.broadcast %while3A_79#0 : i32 to vector<16xi32>
      %eq3A_269 = arith.cmpi eq, %gather3A_267, %eq3A_268 : vector<16xi32>
      %and3A_270 = arith.andi %lt3A_266, %eq3A_269 : vector<16xi1>
      %jit3A_271 = arith.constant 1 : i32
      %jit3A_272 = arith.constant 0 : i32
      %broadcast_in_dim3A_273 = vector.broadcast %jit3A_271 : i32 to vector<16xi32>
      %broadcast_in_dim3A_274 = vector.broadcast %jit3A_272 : i32 to vector<16xi32>
      %select_n3A_275 = arith.select %and3A_270, %broadcast_in_dim3A_273, %broadcast_in_dim3A_274 : vector<16xi1>, vector<16xi32>
      %broadcast_in_dim3A_276 = arith.constant true
      %broadcast_in_dim3A_277 = vector.broadcast %broadcast_in_dim3A_276 : i1 to vector<16xi1>
      %masked_cumsum3A = tpu.scan <sum>, %select_n3A_275 masked %broadcast_in_dim3A_277 : vector<16xi32>, vector<16xi1> -> vector<16xi32>
      %add3A_278 = vector.broadcast %while3A_255 : i32 to vector<16xi32>
      %add3A_279 = arith.addi %masked_cumsum3A, %add3A_278 : vector<16xi32>
      %eq3A_280 = vector.broadcast %sub3A_94 : i32 to vector<16xi32>
      %eq3A_281 = arith.cmpi eq, %add3A_279, %eq3A_280 : vector<16xi32>
      %and3A_282 = arith.andi %and3A_270, %eq3A_281 : vector<16xi1>
      %jit3A_283 = arith.constant -1 : i32
      %broadcast_in_dim3A_284 = vector.broadcast %jit3A_283 : i32 to vector<16xi32>
      %select_n3A_285 = arith.select %and3A_282, %add3A_261, %broadcast_in_dim3A_284 : vector<16xi1>, vector<16xi32>
      %reduce_max3A_286 = arith.constant true
      %reduce_max3A_287 = vector.broadcast %reduce_max3A_286 : i1 to vector<16xi1>
      %reduce_max3A_288 = arith.constant -2147483648 : i32
      %reduce_max3A_289 = vector.broadcast %reduce_max3A_288 : i32 to vector<16xi32>
      %reduce_max3A_290 = arith.xori %select_n3A_285, %reduce_max3A_289 : vector<16xi32>
      %reduce_max3A_291 = tpu.scan <max>, %reduce_max3A_290 masked %reduce_max3A_287 : vector<16xi32>, vector<16xi1> -> vector<16xi32>
      %reduce_max3A_292 = arith.xori %reduce_max3A_291, %reduce_max3A_289 : vector<16xi32>
      %reduce_max3A_293 = vector.extract %reduce_max3A_292[15] : i32 from vector<16xi32>
      %max3A = arith.maxsi %while3A_256, %reduce_max3A_293 : i32
      %reduce_max3A_294 = arith.constant true
      %reduce_max3A_295 = vector.broadcast %reduce_max3A_294 : i1 to vector<16xi1>
      %reduce_max3A_296 = arith.constant -2147483648 : i32
      %reduce_max3A_297 = vector.broadcast %reduce_max3A_296 : i32 to vector<16xi32>
      %reduce_max3A_298 = arith.xori %add3A_279, %reduce_max3A_297 : vector<16xi32>
      %reduce_max3A_299 = tpu.scan <max>, %reduce_max3A_298 masked %reduce_max3A_295 : vector<16xi32>, vector<16xi1> -> vector<16xi32>
      %reduce_max3A_300 = arith.xori %reduce_max3A_299, %reduce_max3A_297 : vector<16xi32>
      %reduce_max3A_301 = vector.extract %reduce_max3A_300[15] : i32 from vector<16xi32>
      scf.yield %reduce_max3A_301, %max3A : i32, i32
    }
    %eq3A = arith.constant 0 : i32
    %eq3A_108 = vector.broadcast %eq3A : i32 to vector<16xi32>
    %eq3A_109 = arith.cmpi eq, %iota3A, %eq3A_108 : vector<16xi32>
    %eq3A_110 = arith.constant 1 : i32
    %eq3A_111 = vector.broadcast %eq3A_110 : i32 to vector<16xi32>
    %eq3A_112 = arith.cmpi eq, %iota3A, %eq3A_111 : vector<16xi32>
    %jit3A_113 = arith.constant 0 : i32
    %broadcast_in_dim3A_114 = vector.broadcast %while3A_107#1 : i32 to vector<16xi32>
    %broadcast_in_dim3A_115 = vector.broadcast %jit3A_113 : i32 to vector<16xi32>
    %select_n3A_116 = arith.select %eq3A_112, %broadcast_in_dim3A_114, %broadcast_in_dim3A_115 : vector<16xi1>, vector<16xi32>
    %broadcast_in_dim3A_117 = vector.broadcast %while3A_79#0 : i32 to vector<16xi32>
    %select_n3A_118 = arith.select %eq3A_109, %broadcast_in_dim3A_117, %select_n3A_116 : vector<16xi1>, vector<16xi32>
    %swap3A = arith.constant 0 : index
    %swap3A_119 = tpu.vector_load %arg9[%swap3A] {strides = array<i32>} : memref<16xi32, #tpu.memory_space<vmem>>, vector<16xi32>,
    tpu.vector_store %arg9[%swap3A], %select_n3A_118 {strides = array<i32>} : memref<16xi32, #tpu.memory_space<vmem>>, vector<16xi32>,
    "tpu.region"() ({
      %run_scoped3A = tpu.sem_alloc : memref<!tpu.dma_semaphore, #tpu.memory_space<semaphore_mem>>
      %dma_start3A = arith.constant 0 : i32
      %dma_start3A_254 = tpu.memref_slice %arg5[%add3A_4, %dma_start3A] : memref<64x16xi32, #tpu.memory_space<hbm>> -> memref<1x16xi32, #tpu.memory_space<hbm>>
      %dma_start3A_255 = tpu.memref_squeeze %dma_start3A_254 : memref<1x16xi32, #tpu.memory_space<hbm>> -> memref<16xi32, #tpu.memory_space<hbm>>
      %dma_start3A_256 = arith.constant 0 : i32
      %dma_start3A_257 = tpu.memref_slice %arg5[%add3A_4, %dma_start3A_256] : memref<64x16xi32, #tpu.memory_space<hbm>> -> memref<1x16xi32, #tpu.memory_space<hbm>>
      %dma_start3A_258 = tpu.memref_squeeze %dma_start3A_257 : memref<1x16xi32, #tpu.memory_space<hbm>> -> memref<16xi32, #tpu.memory_space<hbm>>
      tpu.enqueue_dma source(%arg9 : memref<16xi32, #tpu.memory_space<vmem>>) target(%dma_start3A_258 : memref<16xi32, #tpu.memory_space<hbm>>) target_semaphore(%run_scoped3A : memref<!tpu.dma_semaphore, #tpu.memory_space<semaphore_mem>>)
      %dma_wait3A = arith.constant 0 : i32
      %dma_wait3A_259 = tpu.memref_slice %arg5[%add3A_4, %dma_wait3A] : memref<64x16xi32, #tpu.memory_space<hbm>> -> memref<1x16xi32, #tpu.memory_space<hbm>>
      %dma_wait3A_260 = tpu.memref_squeeze %dma_wait3A_259 : memref<1x16xi32, #tpu.memory_space<hbm>> -> memref<16xi32, #tpu.memory_space<hbm>>
      %dma_wait3A_261 = arith.constant 0 : i32
      %dma_wait3A_262 = tpu.memref_slice %arg5[%add3A_4, %dma_wait3A_261] : memref<64x16xi32, #tpu.memory_space<hbm>> -> memref<1x16xi32, #tpu.memory_space<hbm>>
      %dma_wait3A_263 = tpu.memref_squeeze %dma_wait3A_262 : memref<1x16xi32, #tpu.memory_space<hbm>> -> memref<16xi32, #tpu.memory_space<hbm>>
      tpu.wait_dma2 semaphore(%run_scoped3A : memref<!tpu.dma_semaphore, #tpu.memory_space<semaphore_mem>>) src(%arg9 : memref<16xi32, #tpu.memory_space<vmem>>) dst(%dma_wait3A_263 : memref<16xi32, #tpu.memory_space<hbm>>)
      tpu.yield
    }) : () -> ()
    %mul3A_120 = arith.constant 2 : i32
    %mul3A_121 = arith.muli %add3A, %mul3A_120 : i32
    %add3A_122 = arith.constant 1 : i32
    %add3A_123 = arith.addi %mul3A_121, %add3A_122 : i32
    %broadcast_in_dim3A_124 = vector.broadcast %add3A_123 : i32 to vector<16xi32>
    %gather3A_125 = tpu.vector_load_idx %arg7[%broadcast_in_dim3A_124] : memref<64xi32, #tpu.memory_space<vmem>>[vector<16xi32>], vector<16xi32>,
    %reduce_max3A_126 = arith.constant true
    %reduce_max3A_127 = vector.broadcast %reduce_max3A_126 : i1 to vector<16xi1>
    %reduce_max3A_128 = arith.constant -2147483648 : i32
    %reduce_max3A_129 = vector.broadcast %reduce_max3A_128 : i32 to vector<16xi32>
    %reduce_max3A_130 = arith.xori %gather3A_125, %reduce_max3A_129 : vector<16xi32>
    %reduce_max3A_131 = tpu.scan <max>, %reduce_max3A_130 masked %reduce_max3A_127 : vector<16xi32>, vector<16xi1> -> vector<16xi32>
    %reduce_max3A_132 = arith.xori %reduce_max3A_131, %reduce_max3A_129 : vector<16xi32>
    %reduce_max3A_133 = vector.extract %reduce_max3A_132[15] : i32 from vector<16xi32>
    %gather3A_134 = tpu.vector_load_idx %arg8[%broadcast_in_dim3A_124] : memref<64xi32, #tpu.memory_space<vmem>>[vector<16xi32>], vector<16xi32>,
    %reduce_max3A_135 = arith.constant true
    %reduce_max3A_136 = vector.broadcast %reduce_max3A_135 : i1 to vector<16xi1>
    %reduce_max3A_137 = arith.constant -2147483648 : i32
    %reduce_max3A_138 = vector.broadcast %reduce_max3A_137 : i32 to vector<16xi32>
    %reduce_max3A_139 = arith.xori %gather3A_134, %reduce_max3A_138 : vector<16xi32>
    %reduce_max3A_140 = tpu.scan <max>, %reduce_max3A_139 masked %reduce_max3A_136 : vector<16xi32>, vector<16xi1> -> vector<16xi32>
    %reduce_max3A_141 = arith.xori %reduce_max3A_140, %reduce_max3A_138 : vector<16xi32>
    %reduce_max3A_142 = vector.extract %reduce_max3A_141[15] : i32 from vector<16xi32>
    %add3A_143 = arith.constant 1 : i32
    %add3A_144 = arith.addi %reduce_max3A_133, %add3A_143 : i32
    %jit3A_145 = arith.constant 2 : i32
    %div3A_146 = arith.divsi %add3A_144, %jit3A_145 : i32
    %sign3A_147 = arith.constant 0 : i32
    %sign3A_148 = arith.cmpi sgt, %add3A_144, %sign3A_147 : i32
    %sign3A_149 = arith.extui %sign3A_148 : i1 to i32
    %sign3A_150 = arith.constant 0 : i32
    %sign3A_151 = arith.cmpi slt, %add3A_144, %sign3A_150 : i32
    %sign3A_152 = arith.extui %sign3A_151 : i1 to i32
    %sign3A_153 = arith.subi %sign3A_149, %sign3A_152 : i32
    %sign3A_154 = arith.constant 0 : i32
    %sign3A_155 = arith.cmpi sgt, %jit3A_145, %sign3A_154 : i32
    %sign3A_156 = arith.extui %sign3A_155 : i1 to i32
    %sign3A_157 = arith.constant 0 : i32
    %sign3A_158 = arith.cmpi slt, %jit3A_145, %sign3A_157 : i32
    %sign3A_159 = arith.extui %sign3A_158 : i1 to i32
    %sign3A_160 = arith.subi %sign3A_156, %sign3A_159 : i32
    %ne3A_161 = arith.cmpi ne, %sign3A_153, %sign3A_160 : i32
    %rem3A_162 = arith.remsi %add3A_144, %jit3A_145 : i32
    %ne3A_163 = arith.constant 0 : i32
    %ne3A_164 = arith.cmpi ne, %rem3A_162, %ne3A_163 : i32
    %and3A_165 = arith.andi %ne3A_161, %ne3A_164 : i1
    %sub3A_166 = arith.constant 1 : i32
    %sub3A_167 = arith.subi %div3A_146, %sub3A_166 : i32
    %select_n3A_168 = arith.select %and3A_165, %sub3A_167, %div3A_146 : i32
    %add3A_169 = arith.constant 15 : i32
    %add3A_170 = arith.addi %reduce_max3A_133, %add3A_169 : i32
    %jit3A_171 = arith.constant 16 : i32
    %div3A_172 = arith.divsi %add3A_170, %jit3A_171 : i32
    %sign3A_173 = arith.constant 0 : i32
    %sign3A_174 = arith.cmpi sgt, %add3A_170, %sign3A_173 : i32
    %sign3A_175 = arith.extui %sign3A_174 : i1 to i32
    %sign3A_176 = arith.constant 0 : i32
    %sign3A_177 = arith.cmpi slt, %add3A_170, %sign3A_176 : i32
    %sign3A_178 = arith.extui %sign3A_177 : i1 to i32
    %sign3A_179 = arith.subi %sign3A_175, %sign3A_178 : i32
    %sign3A_180 = arith.constant 0 : i32
    %sign3A_181 = arith.cmpi sgt, %jit3A_171, %sign3A_180 : i32
    %sign3A_182 = arith.extui %sign3A_181 : i1 to i32
    %sign3A_183 = arith.constant 0 : i32
    %sign3A_184 = arith.cmpi slt, %jit3A_171, %sign3A_183 : i32
    %sign3A_185 = arith.extui %sign3A_184 : i1 to i32
    %sign3A_186 = arith.subi %sign3A_182, %sign3A_185 : i32
    %ne3A_187 = arith.cmpi ne, %sign3A_179, %sign3A_186 : i32
    %rem3A_188 = arith.remsi %add3A_170, %jit3A_171 : i32
    %ne3A_189 = arith.constant 0 : i32
    %ne3A_190 = arith.cmpi ne, %rem3A_188, %ne3A_189 : i32
    %and3A_191 = arith.andi %ne3A_187, %ne3A_190 : i1
    %sub3A_192 = arith.constant 1 : i32
    %sub3A_193 = arith.subi %div3A_172, %sub3A_192 : i32
    %select_n3A_194 = arith.select %and3A_191, %sub3A_193, %div3A_172 : i32
    %while3A_195 = arith.constant 2147483647 : i32
    %while3A_196 = arith.constant -2147483648 : i32
    %while3A_197 = arith.constant 0 : i32
    %while3A_198 = arith.constant 2147483647 : i32
    %while3A_199 = arith.constant -2147483648 : i32
    %while3A_200 = arith.subi %select_n3A_194, %while3A_197 : i32
    %while3A_201 = arith.addi %while3A_197, %while3A_200 : i32
    %while3A_202 = arith.constant 1 : i32
    %while3A_203 = arith.divsi %while3A_200, %while3A_202 : i32
    %while3A_204 = arith.muli %while3A_203, %while3A_202 : i32
    %while3A_205 = arith.addi %while3A_197, %while3A_204 : i32
    %while3A_206 = arith.constant 1 : i32
    %while3A_207:2 = scf.for %while3A_254 = %while3A_197 to %while3A_205 step %while3A_206 iter_args(%while3A_255 = %while3A_198, %while3A_256 = %while3A_199) -> (i32, i32)  : i32 {
      %mul3A_257 = arith.constant 16 : i32
      %mul3A_258 = arith.muli %while3A_254, %mul3A_257 : i32
      %add3A_259 = arith.addi %reduce_max3A_142, %mul3A_258 : i32
      %add3A_260 = vector.broadcast %add3A_259 : i32 to vector<16xi32>
      %add3A_261 = arith.addi %add3A_260, %iota3A : vector<16xi32>
      %mul3A_262 = arith.constant 16 : i32
      %mul3A_263 = arith.muli %while3A_254, %mul3A_262 : i32
      %add3A_264 = vector.broadcast %mul3A_263 : i32 to vector<16xi32>
      %add3A_265 = arith.addi %add3A_264, %iota3A : vector<16xi32>
      %lt3A = vector.broadcast %reduce_max3A_133 : i32 to vector<16xi32>
      %lt3A_266 = arith.cmpi slt, %add3A_265, %lt3A : vector<16xi32>
      %gather3A_267 = tpu.vector_load_idx %arg6[%add3A_261] masked %lt3A_266 : memref<10240xi32, #tpu.memory_space<vmem>>[vector<16xi32>], vector<16xi32>, vector<16xi1>
      %broadcast_in_dim3A_268 = vector.broadcast %while3A_195 : i32 to vector<16xi32>
      %select_n3A_269 = arith.select %lt3A_266, %gather3A_267, %broadcast_in_dim3A_268 : vector<16xi1>, vector<16xi32>
      %reduce_min3A = arith.constant true
      %reduce_min3A_270 = vector.broadcast %reduce_min3A : i1 to vector<16xi1>
      %reduce_min3A_271 = arith.constant -2147483648 : i32
      %reduce_min3A_272 = vector.broadcast %reduce_min3A_271 : i32 to vector<16xi32>
      %reduce_min3A_273 = arith.xori %select_n3A_269, %reduce_min3A_272 : vector<16xi32>
      %reduce_min3A_274 = tpu.scan <min>, %reduce_min3A_273 masked %reduce_min3A_270 : vector<16xi32>, vector<16xi1> -> vector<16xi32>
      %reduce_min3A_275 = arith.xori %reduce_min3A_274, %reduce_min3A_272 : vector<16xi32>
      %reduce_min3A_276 = vector.extract %reduce_min3A_275[15] : i32 from vector<16xi32>
      %min3A_277 = arith.minsi %while3A_255, %reduce_min3A_276 : i32
      %broadcast_in_dim3A_278 = vector.broadcast %while3A_196 : i32 to vector<16xi32>
      %select_n3A_279 = arith.select %lt3A_266, %gather3A_267, %broadcast_in_dim3A_278 : vector<16xi1>, vector<16xi32>
      %reduce_max3A_280 = arith.constant true
      %reduce_max3A_281 = vector.broadcast %reduce_max3A_280 : i1 to vector<16xi1>
      %reduce_max3A_282 = arith.constant -2147483648 : i32
      %reduce_max3A_283 = vector.broadcast %reduce_max3A_282 : i32 to vector<16xi32>
      %reduce_max3A_284 = arith.xori %select_n3A_279, %reduce_max3A_283 : vector<16xi32>
      %reduce_max3A_285 = tpu.scan <max>, %reduce_max3A_284 masked %reduce_max3A_281 : vector<16xi32>, vector<16xi1> -> vector<16xi32>
      %reduce_max3A_286 = arith.xori %reduce_max3A_285, %reduce_max3A_283 : vector<16xi32>
      %reduce_max3A_287 = vector.extract %reduce_max3A_286[15] : i32 from vector<16xi32>
      %max3A = arith.maxsi %while3A_256, %reduce_max3A_287 : i32
      scf.yield %min3A_277, %max3A : i32, i32
    }
    %while3A_208 = arith.constant 1 : i32
    %while3A_209:2 = scf.for %while3A_254 = %while3A_205 to %while3A_201 step %while3A_208 iter_args(%while3A_255 = %while3A_207#0, %while3A_256 = %while3A_207#1) -> (i32, i32)  : i32 {
      %mul3A_257 = arith.constant 16 : i32
      %mul3A_258 = arith.muli %while3A_254, %mul3A_257 : i32
      %add3A_259 = arith.addi %reduce_max3A_142, %mul3A_258 : i32
      %add3A_260 = vector.broadcast %add3A_259 : i32 to vector<16xi32>
      %add3A_261 = arith.addi %add3A_260, %iota3A : vector<16xi32>
      %mul3A_262 = arith.constant 16 : i32
      %mul3A_263 = arith.muli %while3A_254, %mul3A_262 : i32
      %add3A_264 = vector.broadcast %mul3A_263 : i32 to vector<16xi32>
      %add3A_265 = arith.addi %add3A_264, %iota3A : vector<16xi32>
      %lt3A = vector.broadcast %reduce_max3A_133 : i32 to vector<16xi32>
      %lt3A_266 = arith.cmpi slt, %add3A_265, %lt3A : vector<16xi32>
      %gather3A_267 = tpu.vector_load_idx %arg6[%add3A_261] masked %lt3A_266 : memref<10240xi32, #tpu.memory_space<vmem>>[vector<16xi32>], vector<16xi32>, vector<16xi1>
      %broadcast_in_dim3A_268 = vector.broadcast %while3A_195 : i32 to vector<16xi32>
      %select_n3A_269 = arith.select %lt3A_266, %gather3A_267, %broadcast_in_dim3A_268 : vector<16xi1>, vector<16xi32>
      %reduce_min3A = arith.constant true
      %reduce_min3A_270 = vector.broadcast %reduce_min3A : i1 to vector<16xi1>
      %reduce_min3A_271 = arith.constant -2147483648 : i32
      %reduce_min3A_272 = vector.broadcast %reduce_min3A_271 : i32 to vector<16xi32>
      %reduce_min3A_273 = arith.xori %select_n3A_269, %reduce_min3A_272 : vector<16xi32>
      %reduce_min3A_274 = tpu.scan <min>, %reduce_min3A_273 masked %reduce_min3A_270 : vector<16xi32>, vector<16xi1> -> vector<16xi32>
      %reduce_min3A_275 = arith.xori %reduce_min3A_274, %reduce_min3A_272 : vector<16xi32>
      %reduce_min3A_276 = vector.extract %reduce_min3A_275[15] : i32 from vector<16xi32>
      %min3A_277 = arith.minsi %while3A_255, %reduce_min3A_276 : i32
      %broadcast_in_dim3A_278 = vector.broadcast %while3A_196 : i32 to vector<16xi32>
      %select_n3A_279 = arith.select %lt3A_266, %gather3A_267, %broadcast_in_dim3A_278 : vector<16xi1>, vector<16xi32>
      %reduce_max3A_280 = arith.constant true
      %reduce_max3A_281 = vector.broadcast %reduce_max3A_280 : i1 to vector<16xi1>
      %reduce_max3A_282 = arith.constant -2147483648 : i32
      %reduce_max3A_283 = vector.broadcast %reduce_max3A_282 : i32 to vector<16xi32>
      %reduce_max3A_284 = arith.xori %select_n3A_279, %reduce_max3A_283 : vector<16xi32>
      %reduce_max3A_285 = tpu.scan <max>, %reduce_max3A_284 masked %reduce_max3A_281 : vector<16xi32>, vector<16xi1> -> vector<16xi32>
      %reduce_max3A_286 = arith.xori %reduce_max3A_285, %reduce_max3A_283 : vector<16xi32>
      %reduce_max3A_287 = vector.extract %reduce_max3A_286[15] : i32 from vector<16xi32>
      %max3A = arith.maxsi %while3A_256, %reduce_max3A_287 : i32
      scf.yield %min3A_277, %max3A : i32, i32
    }
    %min3A_210 = arith.minsi %while3A_209#0, %while3A_209#1 : i32
    %while3A_211:2 = scf.while (%while3A_254 = %min3A_210, %while3A_255 = %while3A_209#1) : (i32, i32) -> (i32, i32) {
      %lt3A = arith.cmpi slt, %while3A_254, %while3A_255 : i32
      scf.condition(%lt3A) %while3A_254, %while3A_255 : i32, i32
    } do {
    ^bb0(%while3A_254: i32, %while3A_255: i32):
      %shift_right_arithmetic3A = arith.constant 1 : i32
      %shift_right_arithmetic3A_256 = arith.shrsi %while3A_254, %shift_right_arithmetic3A : i32
      %shift_right_arithmetic3A_257 = arith.constant 1 : i32
      %shift_right_arithmetic3A_258 = arith.shrsi %while3A_255, %shift_right_arithmetic3A_257 : i32
      %add3A_259 = arith.addi %shift_right_arithmetic3A_256, %shift_right_arithmetic3A_258 : i32
      %and3A_260 = arith.andi %while3A_254, %while3A_255 : i32
      %and3A_261 = arith.constant 1 : i32
      %and3A_262 = arith.andi %and3A_260, %and3A_261 : i32
      %add3A_263 = arith.addi %add3A_259, %and3A_262 : i32
      %while3A_264 = arith.constant 0 : i32
      %while3A_265 = arith.constant 0 : i32
      %while3A_266 = arith.subi %select_n3A_194, %while3A_264 : i32
      %while3A_267 = arith.addi %while3A_264, %while3A_266 : i32
      %while3A_268 = arith.constant 1 : i32
      %while3A_269 = arith.divsi %while3A_266, %while3A_268 : i32
      %while3A_270 = arith.muli %while3A_269, %while3A_268 : i32
      %while3A_271 = arith.addi %while3A_264, %while3A_270 : i32
      %while3A_272 = arith.constant 1 : i32
      %while3A_273 = scf.for %while3A_281 = %while3A_264 to %while3A_271 step %while3A_272 iter_args(%while3A_282 = %while3A_265) -> (i32)  : i32 {
        %mul3A_283 = arith.constant 16 : i32
        %mul3A_284 = arith.muli %while3A_281, %mul3A_283 : i32
        %add3A_285 = arith.addi %reduce_max3A_142, %mul3A_284 : i32
        %add3A_286 = vector.broadcast %add3A_285 : i32 to vector<16xi32>
        %add3A_287 = arith.addi %add3A_286, %iota3A : vector<16xi32>
        %mul3A_288 = arith.constant 16 : i32
        %mul3A_289 = arith.muli %while3A_281, %mul3A_288 : i32
        %add3A_290 = vector.broadcast %mul3A_289 : i32 to vector<16xi32>
        %add3A_291 = arith.addi %add3A_290, %iota3A : vector<16xi32>
        %lt3A = vector.broadcast %reduce_max3A_133 : i32 to vector<16xi32>
        %lt3A_292 = arith.cmpi slt, %add3A_291, %lt3A : vector<16xi32>
        %gather3A_293 = tpu.vector_load_idx %arg6[%add3A_287] masked %lt3A_292 : memref<10240xi32, #tpu.memory_space<vmem>>[vector<16xi32>], vector<16xi32>, vector<16xi1>
        %le3A = vector.broadcast %add3A_263 : i32 to vector<16xi32>
        %le3A_294 = arith.cmpi sle, %gather3A_293, %le3A : vector<16xi32>
        %and3A_295 = arith.andi %lt3A_292, %le3A_294 : vector<16xi1>
        %jit3A_296 = arith.constant 1 : i32
        %jit3A_297 = arith.constant 0 : i32
        %broadcast_in_dim3A_298 = vector.broadcast %jit3A_296 : i32 to vector<16xi32>
        %broadcast_in_dim3A_299 = vector.broadcast %jit3A_297 : i32 to vector<16xi32>
        %select_n3A_300 = arith.select %and3A_295, %broadcast_in_dim3A_298, %broadcast_in_dim3A_299 : vector<16xi1>, vector<16xi32>
        %reduce_sum3A = arith.constant true
        %reduce_sum3A_301 = vector.broadcast %reduce_sum3A : i1 to vector<16xi1>
        %reduce_sum3A_302 = tpu.scan <sum>, %select_n3A_300 masked %reduce_sum3A_301 : vector<16xi32>, vector<16xi1> -> vector<16xi32>
        %reduce_sum3A_303 = vector.extract %reduce_sum3A_302[15] : i32 from vector<16xi32>
        %add3A_304 = arith.addi %while3A_282, %reduce_sum3A_303 : i32
        scf.yield %add3A_304 : i32
      }
      %while3A_274 = arith.constant 1 : i32
      %while3A_275 = scf.for %while3A_281 = %while3A_271 to %while3A_267 step %while3A_274 iter_args(%while3A_282 = %while3A_273) -> (i32)  : i32 {
        %mul3A_283 = arith.constant 16 : i32
        %mul3A_284 = arith.muli %while3A_281, %mul3A_283 : i32
        %add3A_285 = arith.addi %reduce_max3A_142, %mul3A_284 : i32
        %add3A_286 = vector.broadcast %add3A_285 : i32 to vector<16xi32>
        %add3A_287 = arith.addi %add3A_286, %iota3A : vector<16xi32>
        %mul3A_288 = arith.constant 16 : i32
        %mul3A_289 = arith.muli %while3A_281, %mul3A_288 : i32
        %add3A_290 = vector.broadcast %mul3A_289 : i32 to vector<16xi32>
        %add3A_291 = arith.addi %add3A_290, %iota3A : vector<16xi32>
        %lt3A = vector.broadcast %reduce_max3A_133 : i32 to vector<16xi32>
        %lt3A_292 = arith.cmpi slt, %add3A_291, %lt3A : vector<16xi32>
        %gather3A_293 = tpu.vector_load_idx %arg6[%add3A_287] masked %lt3A_292 : memref<10240xi32, #tpu.memory_space<vmem>>[vector<16xi32>], vector<16xi32>, vector<16xi1>
        %le3A = vector.broadcast %add3A_263 : i32 to vector<16xi32>
        %le3A_294 = arith.cmpi sle, %gather3A_293, %le3A : vector<16xi32>
        %and3A_295 = arith.andi %lt3A_292, %le3A_294 : vector<16xi1>
        %jit3A_296 = arith.constant 1 : i32
        %jit3A_297 = arith.constant 0 : i32
        %broadcast_in_dim3A_298 = vector.broadcast %jit3A_296 : i32 to vector<16xi32>
        %broadcast_in_dim3A_299 = vector.broadcast %jit3A_297 : i32 to vector<16xi32>
        %select_n3A_300 = arith.select %and3A_295, %broadcast_in_dim3A_298, %broadcast_in_dim3A_299 : vector<16xi1>, vector<16xi32>
        %reduce_sum3A = arith.constant true
        %reduce_sum3A_301 = vector.broadcast %reduce_sum3A : i1 to vector<16xi1>
        %reduce_sum3A_302 = tpu.scan <sum>, %select_n3A_300 masked %reduce_sum3A_301 : vector<16xi32>, vector<16xi1> -> vector<16xi32>
        %reduce_sum3A_303 = vector.extract %reduce_sum3A_302[15] : i32 from vector<16xi32>
        %add3A_304 = arith.addi %while3A_282, %reduce_sum3A_303 : i32
        scf.yield %add3A_304 : i32
      }
      %ge3A = arith.cmpi sge, %while3A_275, %select_n3A_168 : i32
      %add3A_276 = arith.constant 1 : i32
      %add3A_277 = arith.addi %add3A_263, %add3A_276 : i32
      %select_n3A_278 = arith.select %ge3A, %while3A_254, %add3A_277 : i32
      %ge3A_279 = arith.cmpi sge, %while3A_275, %select_n3A_168 : i32
      %select_n3A_280 = arith.select %ge3A_279, %add3A_263, %while3A_255 : i32
      scf.yield %select_n3A_278, %select_n3A_280 : i32, i32
    }
    %sub3A_212 = arith.constant 1 : i32
    %sub3A_213 = arith.subi %while3A_211#0, %sub3A_212 : i32
    %while3A_214 = arith.constant 0 : i32
    %while3A_215 = arith.constant 0 : i32
    %while3A_216 = arith.subi %select_n3A_194, %while3A_214 : i32
    %while3A_217 = arith.addi %while3A_214, %while3A_216 : i32
    %while3A_218 = arith.constant 1 : i32
    %while3A_219 = arith.divsi %while3A_216, %while3A_218 : i32
    %while3A_220 = arith.muli %while3A_219, %while3A_218 : i32
    %while3A_221 = arith.addi %while3A_214, %while3A_220 : i32
    %while3A_222 = arith.constant 1 : i32
    %while3A_223 = scf.for %while3A_254 = %while3A_214 to %while3A_221 step %while3A_222 iter_args(%while3A_255 = %while3A_215) -> (i32)  : i32 {
      %mul3A_256 = arith.constant 16 : i32
      %mul3A_257 = arith.muli %while3A_254, %mul3A_256 : i32
      %add3A_258 = arith.addi %reduce_max3A_142, %mul3A_257 : i32
      %add3A_259 = vector.broadcast %add3A_258 : i32 to vector<16xi32>
      %add3A_260 = arith.addi %add3A_259, %iota3A : vector<16xi32>
      %mul3A_261 = arith.constant 16 : i32
      %mul3A_262 = arith.muli %while3A_254, %mul3A_261 : i32
      %add3A_263 = vector.broadcast %mul3A_262 : i32 to vector<16xi32>
      %add3A_264 = arith.addi %add3A_263, %iota3A : vector<16xi32>
      %lt3A = vector.broadcast %reduce_max3A_133 : i32 to vector<16xi32>
      %lt3A_265 = arith.cmpi slt, %add3A_264, %lt3A : vector<16xi32>
      %gather3A_266 = tpu.vector_load_idx %arg6[%add3A_260] masked %lt3A_265 : memref<10240xi32, #tpu.memory_space<vmem>>[vector<16xi32>], vector<16xi32>, vector<16xi1>
      %le3A = vector.broadcast %sub3A_213 : i32 to vector<16xi32>
      %le3A_267 = arith.cmpi sle, %gather3A_266, %le3A : vector<16xi32>
      %and3A_268 = arith.andi %lt3A_265, %le3A_267 : vector<16xi1>
      %jit3A_269 = arith.constant 1 : i32
      %jit3A_270 = arith.constant 0 : i32
      %broadcast_in_dim3A_271 = vector.broadcast %jit3A_269 : i32 to vector<16xi32>
      %broadcast_in_dim3A_272 = vector.broadcast %jit3A_270 : i32 to vector<16xi32>
      %select_n3A_273 = arith.select %and3A_268, %broadcast_in_dim3A_271, %broadcast_in_dim3A_272 : vector<16xi1>, vector<16xi32>
      %reduce_sum3A = arith.constant true
      %reduce_sum3A_274 = vector.broadcast %reduce_sum3A : i1 to vector<16xi1>
      %reduce_sum3A_275 = tpu.scan <sum>, %select_n3A_273 masked %reduce_sum3A_274 : vector<16xi32>, vector<16xi1> -> vector<16xi32>
      %reduce_sum3A_276 = vector.extract %reduce_sum3A_275[15] : i32 from vector<16xi32>
      %add3A_277 = arith.addi %while3A_255, %reduce_sum3A_276 : i32
      scf.yield %add3A_277 : i32
    }
    %while3A_224 = arith.constant 1 : i32
    %while3A_225 = scf.for %while3A_254 = %while3A_221 to %while3A_217 step %while3A_224 iter_args(%while3A_255 = %while3A_223) -> (i32)  : i32 {
      %mul3A_256 = arith.constant 16 : i32
      %mul3A_257 = arith.muli %while3A_254, %mul3A_256 : i32
      %add3A_258 = arith.addi %reduce_max3A_142, %mul3A_257 : i32
      %add3A_259 = vector.broadcast %add3A_258 : i32 to vector<16xi32>
      %add3A_260 = arith.addi %add3A_259, %iota3A : vector<16xi32>
      %mul3A_261 = arith.constant 16 : i32
      %mul3A_262 = arith.muli %while3A_254, %mul3A_261 : i32
      %add3A_263 = vector.broadcast %mul3A_262 : i32 to vector<16xi32>
      %add3A_264 = arith.addi %add3A_263, %iota3A : vector<16xi32>
      %lt3A = vector.broadcast %reduce_max3A_133 : i32 to vector<16xi32>
      %lt3A_265 = arith.cmpi slt, %add3A_264, %lt3A : vector<16xi32>
      %gather3A_266 = tpu.vector_load_idx %arg6[%add3A_260] masked %lt3A_265 : memref<10240xi32, #tpu.memory_space<vmem>>[vector<16xi32>], vector<16xi32>, vector<16xi1>
      %le3A = vector.broadcast %sub3A_213 : i32 to vector<16xi32>
      %le3A_267 = arith.cmpi sle, %gather3A_266, %le3A : vector<16xi32>
      %and3A_268 = arith.andi %lt3A_265, %le3A_267 : vector<16xi1>
      %jit3A_269 = arith.constant 1 : i32
      %jit3A_270 = arith.constant 0 : i32
      %broadcast_in_dim3A_271 = vector.broadcast %jit3A_269 : i32 to vector<16xi32>
      %broadcast_in_dim3A_272 = vector.broadcast %jit3A_270 : i32 to vector<16xi32>
      %select_n3A_273 = arith.select %and3A_268, %broadcast_in_dim3A_271, %broadcast_in_dim3A_272 : vector<16xi1>, vector<16xi32>
      %reduce_sum3A = arith.constant true
      %reduce_sum3A_274 = vector.broadcast %reduce_sum3A : i1 to vector<16xi1>
      %reduce_sum3A_275 = tpu.scan <sum>, %select_n3A_273 masked %reduce_sum3A_274 : vector<16xi32>, vector<16xi1> -> vector<16xi32>
      %reduce_sum3A_276 = vector.extract %reduce_sum3A_275[15] : i32 from vector<16xi32>
      %add3A_277 = arith.addi %while3A_255, %reduce_sum3A_276 : i32
      scf.yield %add3A_277 : i32
    }
    %sub3A_226 = arith.subi %select_n3A_168, %while3A_225 : i32
    %while3A_227 = arith.constant 0 : i32
    %while3A_228 = arith.constant 0 : i32
    %while3A_229 = arith.constant -1 : i32
    %while3A_230 = arith.subi %select_n3A_194, %while3A_227 : i32
    %while3A_231 = arith.addi %while3A_227, %while3A_230 : i32
    %while3A_232 = arith.constant 1 : i32
    %while3A_233 = arith.divsi %while3A_230, %while3A_232 : i32
    %while3A_234 = arith.muli %while3A_233, %while3A_232 : i32
    %while3A_235 = arith.addi %while3A_227, %while3A_234 : i32
    %while3A_236 = arith.constant 1 : i32
    %while3A_237:2 = scf.for %while3A_254 = %while3A_227 to %while3A_235 step %while3A_236 iter_args(%while3A_255 = %while3A_228, %while3A_256 = %while3A_229) -> (i32, i32)  : i32 {
      %mul3A_257 = arith.constant 16 : i32
      %mul3A_258 = arith.muli %while3A_254, %mul3A_257 : i32
      %add3A_259 = arith.addi %reduce_max3A_142, %mul3A_258 : i32
      %add3A_260 = vector.broadcast %add3A_259 : i32 to vector<16xi32>
      %add3A_261 = arith.addi %add3A_260, %iota3A : vector<16xi32>
      %mul3A_262 = arith.constant 16 : i32
      %mul3A_263 = arith.muli %while3A_254, %mul3A_262 : i32
      %add3A_264 = vector.broadcast %mul3A_263 : i32 to vector<16xi32>
      %add3A_265 = arith.addi %add3A_264, %iota3A : vector<16xi32>
      %lt3A = vector.broadcast %reduce_max3A_133 : i32 to vector<16xi32>
      %lt3A_266 = arith.cmpi slt, %add3A_265, %lt3A : vector<16xi32>
      %gather3A_267 = tpu.vector_load_idx %arg6[%add3A_261] masked %lt3A_266 : memref<10240xi32, #tpu.memory_space<vmem>>[vector<16xi32>], vector<16xi32>, vector<16xi1>
      %eq3A_268 = vector.broadcast %while3A_211#0 : i32 to vector<16xi32>
      %eq3A_269 = arith.cmpi eq, %gather3A_267, %eq3A_268 : vector<16xi32>
      %and3A_270 = arith.andi %lt3A_266, %eq3A_269 : vector<16xi1>
      %jit3A_271 = arith.constant 1 : i32
      %jit3A_272 = arith.constant 0 : i32
      %broadcast_in_dim3A_273 = vector.broadcast %jit3A_271 : i32 to vector<16xi32>
      %broadcast_in_dim3A_274 = vector.broadcast %jit3A_272 : i32 to vector<16xi32>
      %select_n3A_275 = arith.select %and3A_270, %broadcast_in_dim3A_273, %broadcast_in_dim3A_274 : vector<16xi1>, vector<16xi32>
      %broadcast_in_dim3A_276 = arith.constant true
      %broadcast_in_dim3A_277 = vector.broadcast %broadcast_in_dim3A_276 : i1 to vector<16xi1>
      %masked_cumsum3A = tpu.scan <sum>, %select_n3A_275 masked %broadcast_in_dim3A_277 : vector<16xi32>, vector<16xi1> -> vector<16xi32>
      %add3A_278 = vector.broadcast %while3A_255 : i32 to vector<16xi32>
      %add3A_279 = arith.addi %masked_cumsum3A, %add3A_278 : vector<16xi32>
      %eq3A_280 = vector.broadcast %sub3A_226 : i32 to vector<16xi32>
      %eq3A_281 = arith.cmpi eq, %add3A_279, %eq3A_280 : vector<16xi32>
      %and3A_282 = arith.andi %and3A_270, %eq3A_281 : vector<16xi1>
      %jit3A_283 = arith.constant -1 : i32
      %broadcast_in_dim3A_284 = vector.broadcast %jit3A_283 : i32 to vector<16xi32>
      %select_n3A_285 = arith.select %and3A_282, %add3A_261, %broadcast_in_dim3A_284 : vector<16xi1>, vector<16xi32>
      %reduce_max3A_286 = arith.constant true
      %reduce_max3A_287 = vector.broadcast %reduce_max3A_286 : i1 to vector<16xi1>
      %reduce_max3A_288 = arith.constant -2147483648 : i32
      %reduce_max3A_289 = vector.broadcast %reduce_max3A_288 : i32 to vector<16xi32>
      %reduce_max3A_290 = arith.xori %select_n3A_285, %reduce_max3A_289 : vector<16xi32>
      %reduce_max3A_291 = tpu.scan <max>, %reduce_max3A_290 masked %reduce_max3A_287 : vector<16xi32>, vector<16xi1> -> vector<16xi32>
      %reduce_max3A_292 = arith.xori %reduce_max3A_291, %reduce_max3A_289 : vector<16xi32>
      %reduce_max3A_293 = vector.extract %reduce_max3A_292[15] : i32 from vector<16xi32>
      %max3A = arith.maxsi %while3A_256, %reduce_max3A_293 : i32
      %reduce_max3A_294 = arith.constant true
      %reduce_max3A_295 = vector.broadcast %reduce_max3A_294 : i1 to vector<16xi1>
      %reduce_max3A_296 = arith.constant -2147483648 : i32
      %reduce_max3A_297 = vector.broadcast %reduce_max3A_296 : i32 to vector<16xi32>
      %reduce_max3A_298 = arith.xori %add3A_279, %reduce_max3A_297 : vector<16xi32>
      %reduce_max3A_299 = tpu.scan <max>, %reduce_max3A_298 masked %reduce_max3A_295 : vector<16xi32>, vector<16xi1> -> vector<16xi32>
      %reduce_max3A_300 = arith.xori %reduce_max3A_299, %reduce_max3A_297 : vector<16xi32>
      %reduce_max3A_301 = vector.extract %reduce_max3A_300[15] : i32 from vector<16xi32>
      scf.yield %reduce_max3A_301, %max3A : i32, i32
    }
    %while3A_238 = arith.constant 1 : i32
    %while3A_239:2 = scf.for %while3A_254 = %while3A_235 to %while3A_231 step %while3A_238 iter_args(%while3A_255 = %while3A_237#0, %while3A_256 = %while3A_237#1) -> (i32, i32)  : i32 {
      %mul3A_257 = arith.constant 16 : i32
      %mul3A_258 = arith.muli %while3A_254, %mul3A_257 : i32
      %add3A_259 = arith.addi %reduce_max3A_142, %mul3A_258 : i32
      %add3A_260 = vector.broadcast %add3A_259 : i32 to vector<16xi32>
      %add3A_261 = arith.addi %add3A_260, %iota3A : vector<16xi32>
      %mul3A_262 = arith.constant 16 : i32
      %mul3A_263 = arith.muli %while3A_254, %mul3A_262 : i32
      %add3A_264 = vector.broadcast %mul3A_263 : i32 to vector<16xi32>
      %add3A_265 = arith.addi %add3A_264, %iota3A : vector<16xi32>
      %lt3A = vector.broadcast %reduce_max3A_133 : i32 to vector<16xi32>
      %lt3A_266 = arith.cmpi slt, %add3A_265, %lt3A : vector<16xi32>
      %gather3A_267 = tpu.vector_load_idx %arg6[%add3A_261] masked %lt3A_266 : memref<10240xi32, #tpu.memory_space<vmem>>[vector<16xi32>], vector<16xi32>, vector<16xi1>
      %eq3A_268 = vector.broadcast %while3A_211#0 : i32 to vector<16xi32>
      %eq3A_269 = arith.cmpi eq, %gather3A_267, %eq3A_268 : vector<16xi32>
      %and3A_270 = arith.andi %lt3A_266, %eq3A_269 : vector<16xi1>
      %jit3A_271 = arith.constant 1 : i32
      %jit3A_272 = arith.constant 0 : i32
      %broadcast_in_dim3A_273 = vector.broadcast %jit3A_271 : i32 to vector<16xi32>
      %broadcast_in_dim3A_274 = vector.broadcast %jit3A_272 : i32 to vector<16xi32>
      %select_n3A_275 = arith.select %and3A_270, %broadcast_in_dim3A_273, %broadcast_in_dim3A_274 : vector<16xi1>, vector<16xi32>
      %broadcast_in_dim3A_276 = arith.constant true
      %broadcast_in_dim3A_277 = vector.broadcast %broadcast_in_dim3A_276 : i1 to vector<16xi1>
      %masked_cumsum3A = tpu.scan <sum>, %select_n3A_275 masked %broadcast_in_dim3A_277 : vector<16xi32>, vector<16xi1> -> vector<16xi32>
      %add3A_278 = vector.broadcast %while3A_255 : i32 to vector<16xi32>
      %add3A_279 = arith.addi %masked_cumsum3A, %add3A_278 : vector<16xi32>
      %eq3A_280 = vector.broadcast %sub3A_226 : i32 to vector<16xi32>
      %eq3A_281 = arith.cmpi eq, %add3A_279, %eq3A_280 : vector<16xi32>
      %and3A_282 = arith.andi %and3A_270, %eq3A_281 : vector<16xi1>
      %jit3A_283 = arith.constant -1 : i32
      %broadcast_in_dim3A_284 = vector.broadcast %jit3A_283 : i32 to vector<16xi32>
      %select_n3A_285 = arith.select %and3A_282, %add3A_261, %broadcast_in_dim3A_284 : vector<16xi1>, vector<16xi32>
      %reduce_max3A_286 = arith.constant true
      %reduce_max3A_287 = vector.broadcast %reduce_max3A_286 : i1 to vector<16xi1>
      %reduce_max3A_288 = arith.constant -2147483648 : i32
      %reduce_max3A_289 = vector.broadcast %reduce_max3A_288 : i32 to vector<16xi32>
      %reduce_max3A_290 = arith.xori %select_n3A_285, %reduce_max3A_289 : vector<16xi32>
      %reduce_max3A_291 = tpu.scan <max>, %reduce_max3A_290 masked %reduce_max3A_287 : vector<16xi32>, vector<16xi1> -> vector<16xi32>
      %reduce_max3A_292 = arith.xori %reduce_max3A_291, %reduce_max3A_289 : vector<16xi32>
      %reduce_max3A_293 = vector.extract %reduce_max3A_292[15] : i32 from vector<16xi32>
      %max3A = arith.maxsi %while3A_256, %reduce_max3A_293 : i32
      %reduce_max3A_294 = arith.constant true
      %reduce_max3A_295 = vector.broadcast %reduce_max3A_294 : i1 to vector<16xi1>
      %reduce_max3A_296 = arith.constant -2147483648 : i32
      %reduce_max3A_297 = vector.broadcast %reduce_max3A_296 : i32 to vector<16xi32>
      %reduce_max3A_298 = arith.xori %add3A_279, %reduce_max3A_297 : vector<16xi32>
      %reduce_max3A_299 = tpu.scan <max>, %reduce_max3A_298 masked %reduce_max3A_295 : vector<16xi32>, vector<16xi1> -> vector<16xi32>
      %reduce_max3A_300 = arith.xori %reduce_max3A_299, %reduce_max3A_297 : vector<16xi32>
      %reduce_max3A_301 = vector.extract %reduce_max3A_300[15] : i32 from vector<16xi32>
      scf.yield %reduce_max3A_301, %max3A : i32, i32
    }
    %eq3A_240 = arith.constant 0 : i32
    %eq3A_241 = vector.broadcast %eq3A_240 : i32 to vector<16xi32>
    %eq3A_242 = arith.cmpi eq, %iota3A, %eq3A_241 : vector<16xi32>
    %eq3A_243 = arith.constant 1 : i32
    %eq3A_244 = vector.broadcast %eq3A_243 : i32 to vector<16xi32>
    %eq3A_245 = arith.cmpi eq, %iota3A, %eq3A_244 : vector<16xi32>
    %jit3A_246 = arith.constant 0 : i32
    %broadcast_in_dim3A_247 = vector.broadcast %while3A_239#1 : i32 to vector<16xi32>
    %broadcast_in_dim3A_248 = vector.broadcast %jit3A_246 : i32 to vector<16xi32>
    %select_n3A_249 = arith.select %eq3A_245, %broadcast_in_dim3A_247, %broadcast_in_dim3A_248 : vector<16xi1>, vector<16xi32>
    %broadcast_in_dim3A_250 = vector.broadcast %while3A_211#0 : i32 to vector<16xi32>
    %select_n3A_251 = arith.select %eq3A_242, %broadcast_in_dim3A_250, %select_n3A_249 : vector<16xi1>, vector<16xi32>
    %swap3A_252 = arith.constant 0 : index
    %swap3A_253 = tpu.vector_load %arg9[%swap3A_252] {strides = array<i32>} : memref<16xi32, #tpu.memory_space<vmem>>, vector<16xi32>,
    tpu.vector_store %arg9[%swap3A_252], %select_n3A_251 {strides = array<i32>} : memref<16xi32, #tpu.memory_space<vmem>>, vector<16xi32>,
    "tpu.region"() ({
      %run_scoped3A = tpu.sem_alloc : memref<!tpu.dma_semaphore, #tpu.memory_space<semaphore_mem>>
      %dma_start3A = arith.constant 0 : i32
      %dma_start3A_254 = tpu.memref_slice %arg5[%add3A_123, %dma_start3A] : memref<64x16xi32, #tpu.memory_space<hbm>> -> memref<1x16xi32, #tpu.memory_space<hbm>>
      %dma_start3A_255 = tpu.memref_squeeze %dma_start3A_254 : memref<1x16xi32, #tpu.memory_space<hbm>> -> memref<16xi32, #tpu.memory_space<hbm>>
      %dma_start3A_256 = arith.constant 0 : i32
      %dma_start3A_257 = tpu.memref_slice %arg5[%add3A_123, %dma_start3A_256] : memref<64x16xi32, #tpu.memory_space<hbm>> -> memref<1x16xi32, #tpu.memory_space<hbm>>
      %dma_start3A_258 = tpu.memref_squeeze %dma_start3A_257 : memref<1x16xi32, #tpu.memory_space<hbm>> -> memref<16xi32, #tpu.memory_space<hbm>>
      tpu.enqueue_dma source(%arg9 : memref<16xi32, #tpu.memory_space<vmem>>) target(%dma_start3A_258 : memref<16xi32, #tpu.memory_space<hbm>>) target_semaphore(%run_scoped3A : memref<!tpu.dma_semaphore, #tpu.memory_space<semaphore_mem>>)
      %dma_wait3A = arith.constant 0 : i32
      %dma_wait3A_259 = tpu.memref_slice %arg5[%add3A_123, %dma_wait3A] : memref<64x16xi32, #tpu.memory_space<hbm>> -> memref<1x16xi32, #tpu.memory_space<hbm>>
      %dma_wait3A_260 = tpu.memref_squeeze %dma_wait3A_259 : memref<1x16xi32, #tpu.memory_space<hbm>> -> memref<16xi32, #tpu.memory_space<hbm>>
      %dma_wait3A_261 = arith.constant 0 : i32
      %dma_wait3A_262 = tpu.memref_slice %arg5[%add3A_123, %dma_wait3A_261] : memref<64x16xi32, #tpu.memory_space<hbm>> -> memref<1x16xi32, #tpu.memory_space<hbm>>
      %dma_wait3A_263 = tpu.memref_squeeze %dma_wait3A_262 : memref<1x16xi32, #tpu.memory_space<hbm>> -> memref<16xi32, #tpu.memory_space<hbm>>
      tpu.wait_dma2 semaphore(%run_scoped3A : memref<!tpu.dma_semaphore, #tpu.memory_space<semaphore_mem>>) src(%arg9 : memref<16xi32, #tpu.memory_space<vmem>>) dst(%dma_wait3A_263 : memref<16xi32, #tpu.memory_space<hbm>>)
      tpu.yield
    }) : () -> ()
    return
  }
}

module attributes {stable_mosaic.version = 14 : i64} {
  func.func @_tc1_body(%arg0: memref<10240x256xf32, #tpu.memory_space<vmem>>, %arg1: memref<1x10240xi32, #tpu.memory_space<vmem>>, %arg2: memref<1x256xf32, #tpu.memory_space<vmem>>, %arg3: memref<1x10240xf32, #tpu.memory_space<vmem>>, %arg4: memref<1x10240xi32, #tpu.memory_space<vmem>>, %arg5: memref<1x64xi32, #tpu.memory_space<vmem>>, %arg6: memref<1x64xi32, #tpu.memory_space<vmem>>) attributes {dimension_semantics = [], scalar_prefetch = 0 : i64, scratch_operands = 0 : i64, tpu.core_type = #tpu.core_type<tc>} {
    %get3A = arith.constant 0 : index
    %get3A_0 = arith.constant 0 : index
    %get3A_1 = vector.load %arg0[%get3A, %get3A_0] : memref<10240x256xf32, #tpu.memory_space<vmem>>, vector<10240x256xf32>
    %get3A_2 = arith.constant 0 : index
    %get3A_3 = arith.constant 0 : index
    %get3A_4 = vector.load %arg1[%get3A_2, %get3A_3] : memref<1x10240xi32, #tpu.memory_space<vmem>>, vector<1x10240xi32>
    %get3A_5 = arith.constant 0 : index
    %get3A_6 = arith.constant 0 : index
    %get3A_7 = vector.load %arg2[%get3A_5, %get3A_6] : memref<1x256xf32, #tpu.memory_space<vmem>>, vector<1x256xf32>
    %mul3A = arith.mulf %get3A_7, %get3A_7 : vector<1x256xf32>
    %reduce_sum3A = vector.shape_cast %mul3A : vector<1x256xf32> to vector<1x1x256xf32>
    %reduce_sum3A_8 = arith.constant dense<0.000000e+00> : vector<1xf32>
    %reduce_sum3A_9 = vector.multi_reduction <add>, %reduce_sum3A, %reduce_sum3A_8 [1, 2] : vector<1x1x256xf32> to vector<1xf32>
    %reduce_sum3A_10 = vector.shape_cast %reduce_sum3A_9 : vector<1xf32> to vector<1x1x1xf32>
    %reduce_sum3A_11 = vector.extract %reduce_sum3A_10[0, 0, 0] : f32 from vector<1x1x1xf32>
    %rsqrt3A = math.rsqrt %reduce_sum3A_11 : f32
    %dot_general3A = arith.constant dense<0.000000e+00> : vector<1x10240xf32>
    %dot_general3A_12 = tpu.matmul %get3A_7, %get3A_1, %dot_general3A {dimension_numbers = #tpu.dot_dimension_numbers<[1], [1], [0], [0], [0, 0, 1, 0], [], []>, transpose_lhs_hint = false} : vector<1x256xf32>, vector<10240x256xf32>, vector<1x10240xf32> -> vector<1x10240xf32>
    %mul3A_13 = vector.broadcast %rsqrt3A : f32 to vector<1x10240xf32>
    %mul3A_14 = arith.mulf %dot_general3A_12, %mul3A_13 : vector<1x10240xf32>
    %eq3A = arith.constant 0.000000e+00 : f32
    %eq3A_15 = vector.broadcast %eq3A : f32 to vector<1x10240xf32>
    %eq3A_16 = arith.cmpf oeq, %mul3A_14, %eq3A_15 : vector<1x10240xf32>
    %jit3A = arith.constant 0.000000e+00 : f32
    %broadcast_in_dim3A = vector.broadcast %jit3A : f32 to vector<1x10240xf32>
    %select_n3A = arith.select %eq3A_16, %broadcast_in_dim3A, %mul3A_14 : vector<1x10240xi1>, vector<1x10240xf32>
    %bitcast_convert_type3A = tpu.bitcast %select_n3A : vector<1x10240xf32> -> vector<1x10240xi32>
    %ge3A = arith.constant 0 : i32
    %ge3A_17 = vector.broadcast %ge3A : i32 to vector<1x10240xi32>
    %ge3A_18 = arith.cmpi sge, %bitcast_convert_type3A, %ge3A_17 : vector<1x10240xi32>
    %xor3A = arith.constant 2147483647 : i32
    %xor3A_19 = vector.broadcast %xor3A : i32 to vector<1x10240xi32>
    %xor3A_20 = arith.xori %bitcast_convert_type3A, %xor3A_19 : vector<1x10240xi32>
    %select_n3A_21 = arith.select %ge3A_18, %bitcast_convert_type3A, %xor3A_20 : vector<1x10240xi1>, vector<1x10240xi32>
    %neg3A = arith.constant 0 : i32
    %neg3A_22 = vector.broadcast %neg3A : i32 to vector<1x10240xi32>
    %neg3A_23 = arith.subi %neg3A_22, %select_n3A_21 : vector<1x10240xi32>
    %iota3A = tpu.iota {dimensions = array<i32: 0>} : vector<64x1xi32>
    %iota3A_24 = tpu.iota {dimensions = array<i32: 1>} : vector<1x64xi32>
    %eq3A_25 = vector.broadcast %iota3A : vector<64x1xi32> to vector<64x10240xi32>
    %eq3A_26 = vector.broadcast %get3A_4 : vector<1x10240xi32> to vector<64x10240xi32>
    %eq3A_27 = arith.cmpi eq, %eq3A_25, %eq3A_26 : vector<64x10240xi32>
    %jit3A_28 = arith.constant 1.000000e+00 : f32
    %jit3A_29 = arith.constant 0.000000e+00 : f32
    %broadcast_in_dim3A_30 = vector.broadcast %jit3A_28 : f32 to vector<64x10240xf32>
    %broadcast_in_dim3A_31 = vector.broadcast %jit3A_29 : f32 to vector<64x10240xf32>
    %select_n3A_32 = arith.select %eq3A_27, %broadcast_in_dim3A_30, %broadcast_in_dim3A_31 : vector<64x10240xi1>, vector<64x10240xf32>
    %broadcast_in_dim3A_33 = arith.constant 1.000000e+00 : f32
    %broadcast_in_dim3A_34 = vector.broadcast %broadcast_in_dim3A_33 : f32 to vector<1x10240xf32>
    %dot_general3A_35 = arith.constant dense<0.000000e+00> : vector<1x64xf32>
    %dot_general3A_36 = tpu.matmul %broadcast_in_dim3A_34, %select_n3A_32, %dot_general3A_35 {dimension_numbers = #tpu.dot_dimension_numbers<[1], [1], [0], [0], [0, 0, 1, 0], [], []>, transpose_lhs_hint = false} : vector<1x10240xf32>, vector<64x10240xf32>, vector<1x64xf32> -> vector<1x64xf32>
    %lt3A = vector.broadcast %iota3A : vector<64x1xi32> to vector<64x64xi32>
    %lt3A_37 = vector.broadcast %iota3A_24 : vector<1x64xi32> to vector<64x64xi32>
    %lt3A_38 = arith.cmpi slt, %lt3A, %lt3A_37 : vector<64x64xi32>
    %jit3A_39 = arith.constant 1.000000e+00 : f32
    %jit3A_40 = arith.constant 0.000000e+00 : f32
    %broadcast_in_dim3A_41 = vector.broadcast %jit3A_39 : f32 to vector<64x64xf32>
    %broadcast_in_dim3A_42 = vector.broadcast %jit3A_40 : f32 to vector<64x64xf32>
    %select_n3A_43 = arith.select %lt3A_38, %broadcast_in_dim3A_41, %broadcast_in_dim3A_42 : vector<64x64xi1>, vector<64x64xf32>
    %dot_general3A_44 = arith.constant dense<0.000000e+00> : vector<1x64xf32>
    %dot_general3A_45 = tpu.matmul %dot_general3A_36, %select_n3A_43, %dot_general3A_44 {dimension_numbers = #tpu.dot_dimension_numbers<[1], [0], [0], [1], [0, 0, 1, 1], [], []>, transpose_lhs_hint = false} : vector<1x64xf32>, vector<64x64xf32>, vector<1x64xf32> -> vector<1x64xf32>
    %swap3A = arith.constant 0 : index
    %swap3A_46 = arith.constant 0 : index
    %swap3A_47 = vector.load %arg3[%swap3A, %swap3A_46] : memref<1x10240xf32, #tpu.memory_space<vmem>>, vector<1x10240xf32>
    tpu.vector_store %arg3[%swap3A, %swap3A_46], %mul3A_14 {strides = array<i32>} : memref<1x10240xf32, #tpu.memory_space<vmem>>, vector<1x10240xf32>,
    %swap3A_48 = arith.constant 0 : index
    %swap3A_49 = arith.constant 0 : index
    %swap3A_50 = vector.load %arg4[%swap3A_48, %swap3A_49] : memref<1x10240xi32, #tpu.memory_space<vmem>>, vector<1x10240xi32>
    tpu.vector_store %arg4[%swap3A_48, %swap3A_49], %neg3A_23 {strides = array<i32>} : memref<1x10240xi32, #tpu.memory_space<vmem>>, vector<1x10240xi32>,
    %convert_element_type3A = arith.fptosi %dot_general3A_36 : vector<1x64xf32> to vector<1x64xi32>
    %swap3A_51 = arith.constant 0 : index
    %swap3A_52 = arith.constant 0 : index
    %swap3A_53 = vector.load %arg5[%swap3A_51, %swap3A_52] : memref<1x64xi32, #tpu.memory_space<vmem>>, vector<1x64xi32>
    tpu.vector_store %arg5[%swap3A_51, %swap3A_52], %convert_element_type3A {strides = array<i32>} : memref<1x64xi32, #tpu.memory_space<vmem>>, vector<1x64xi32>,
    %convert_element_type3A_54 = arith.fptosi %dot_general3A_45 : vector<1x64xf32> to vector<1x64xi32>
    %swap3A_55 = arith.constant 0 : index
    %swap3A_56 = arith.constant 0 : index
    %swap3A_57 = vector.load %arg6[%swap3A_55, %swap3A_56] : memref<1x64xi32, #tpu.memory_space<vmem>>, vector<1x64xi32>
    tpu.vector_store %arg6[%swap3A_55, %swap3A_56], %convert_element_type3A_54 {strides = array<i32>} : memref<1x64xi32, #tpu.memory_space<vmem>>, vector<1x64xi32>,
    return
  }
}

module attributes {stable_mosaic.version = 14 : i64} {
  func.func @_tc2_body(%arg0: memref<10240x256xf32, #tpu.memory_space<vmem>>, %arg1: memref<1x10240xi32, #tpu.memory_space<vmem>>, %arg2: memref<1x10240xf32, #tpu.memory_space<vmem>>, %arg3: memref<1x10240xi32, #tpu.memory_space<vmem>>, %arg4: memref<64x16xi32, #tpu.memory_space<vmem>>, %arg5: memref<64x256xf32, #tpu.memory_space<vmem>>) attributes {dimension_semantics = [], scalar_prefetch = 0 : i64, scratch_operands = 0 : i64, tpu.core_type = #tpu.core_type<tc>} {
    %get3A = arith.constant 0 : index
    %get3A_0 = arith.constant 0 : index
    %get3A_1 = vector.load %arg0[%get3A, %get3A_0] : memref<10240x256xf32, #tpu.memory_space<vmem>>, vector<10240x256xf32>
    %get3A_2 = arith.constant 0 : index
    %get3A_3 = arith.constant 0 : index
    %get3A_4 = vector.load %arg1[%get3A_2, %get3A_3] : memref<1x10240xi32, #tpu.memory_space<vmem>>, vector<1x10240xi32>
    %get3A_5 = arith.constant 0 : index
    %get3A_6 = arith.constant 0 : index
    %get3A_7 = vector.load %arg2[%get3A_5, %get3A_6] : memref<1x10240xf32, #tpu.memory_space<vmem>>, vector<1x10240xf32>
    %get3A_8 = arith.constant 0 : index
    %get3A_9 = arith.constant 0 : index
    %get3A_10 = vector.load %arg3[%get3A_8, %get3A_9] : memref<1x10240xi32, #tpu.memory_space<vmem>>, vector<1x10240xi32>
    %get3A_11 = arith.constant 0 : index
    %get3A_12 = arith.constant 0 : index
    %get3A_13 = vector.load %arg4[%get3A_11, %get3A_12] : memref<64x16xi32, #tpu.memory_space<vmem>>, vector<64x16xi32>
    %iota3A = tpu.iota {dimensions = array<i32: 0>} : vector<64x1xi32>
    %iota3A_14 = tpu.iota {dimensions = array<i32: 1>} : vector<1x64xi32>
    %eq3A = vector.broadcast %iota3A : vector<64x1xi32> to vector<64x10240xi32>
    %eq3A_15 = vector.broadcast %get3A_4 : vector<1x10240xi32> to vector<64x10240xi32>
    %eq3A_16 = arith.cmpi eq, %eq3A, %eq3A_15 : vector<64x10240xi32>
    %jit3A = arith.constant 1.000000e+00 : f32
    %jit3A_17 = arith.constant 0.000000e+00 : f32
    %broadcast_in_dim3A = vector.broadcast %jit3A : f32 to vector<64x10240xf32>
    %broadcast_in_dim3A_18 = vector.broadcast %jit3A_17 : f32 to vector<64x10240xf32>
    %select_n3A = arith.select %eq3A_16, %broadcast_in_dim3A, %broadcast_in_dim3A_18 : vector<64x10240xi1>, vector<64x10240xf32>
    %broadcast_in_dim3A_19 = arith.constant 1.000000e+00 : f32
    %broadcast_in_dim3A_20 = vector.broadcast %broadcast_in_dim3A_19 : f32 to vector<1x10240xf32>
    %dot_general3A = arith.constant dense<0.000000e+00> : vector<1x64xf32>
    %dot_general3A_21 = tpu.matmul %broadcast_in_dim3A_20, %select_n3A, %dot_general3A {dimension_numbers = #tpu.dot_dimension_numbers<[1], [1], [0], [0], [0, 0, 1, 0], [], []>, transpose_lhs_hint = false} : vector<1x10240xf32>, vector<64x10240xf32>, vector<1x64xf32> -> vector<1x64xf32>
    %mul3A = arith.constant 5.000000e-01 : f32
    %mul3A_22 = vector.broadcast %mul3A : f32 to vector<1x64xf32>
    %mul3A_23 = arith.mulf %mul3A_22, %dot_general3A_21 : vector<1x64xf32>
    %ceil3A = math.ceil %mul3A_23 : vector<1x64xf32>
    %shift_right_arithmetic3A = arith.constant 16 : i32
    %shift_right_arithmetic3A_24 = vector.broadcast %shift_right_arithmetic3A : i32 to vector<64x16xi32>
    %shift_right_arithmetic3A_25 = arith.shrsi %get3A_13, %shift_right_arithmetic3A_24 : vector<64x16xi32>
    %convert_element_type3A = arith.sitofp %shift_right_arithmetic3A_25 : vector<64x16xi32> to vector<64x16xf32>
    %and3A = arith.constant 65535 : i32
    %and3A_26 = vector.broadcast %and3A : i32 to vector<64x16xi32>
    %and3A_27 = arith.andi %get3A_13, %and3A_26 : vector<64x16xi32>
    %convert_element_type3A_28 = arith.sitofp %and3A_27 : vector<64x16xi32> to vector<64x16xf32>
    %iota3A_29 = tpu.iota {dimensions = array<i32: 1>} : vector<1x16xi32>
    %eq3A_30 = arith.constant 0 : i32
    %eq3A_31 = vector.broadcast %eq3A_30 : i32 to vector<1x16xi32>
    %eq3A_32 = arith.cmpi eq, %iota3A_29, %eq3A_31 : vector<1x16xi32>
    %jit3A_33 = arith.constant 1.000000e+00 : f32
    %jit3A_34 = arith.constant 0.000000e+00 : f32
    %broadcast_in_dim3A_35 = vector.broadcast %jit3A_33 : f32 to vector<1x16xf32>
    %broadcast_in_dim3A_36 = vector.broadcast %jit3A_34 : f32 to vector<1x16xf32>
    %select_n3A_37 = arith.select %eq3A_32, %broadcast_in_dim3A_35, %broadcast_in_dim3A_36 : vector<1x16xi1>, vector<1x16xf32>
    %eq3A_38 = arith.constant 1 : i32
    %eq3A_39 = vector.broadcast %eq3A_38 : i32 to vector<1x16xi32>
    %eq3A_40 = arith.cmpi eq, %iota3A_29, %eq3A_39 : vector<1x16xi32>
    %jit3A_41 = arith.constant 1.000000e+00 : f32
    %jit3A_42 = arith.constant 0.000000e+00 : f32
    %broadcast_in_dim3A_43 = vector.broadcast %jit3A_41 : f32 to vector<1x16xf32>
    %broadcast_in_dim3A_44 = vector.broadcast %jit3A_42 : f32 to vector<1x16xf32>
    %select_n3A_45 = arith.select %eq3A_40, %broadcast_in_dim3A_43, %broadcast_in_dim3A_44 : vector<1x16xi1>, vector<1x16xf32>
    %dot_general3A_46 = arith.constant dense<0.000000e+00> : vector<1x64xf32>
    %dot_general3A_47 = tpu.matmul %select_n3A_37, %convert_element_type3A, %dot_general3A_46 {dimension_numbers = #tpu.dot_dimension_numbers<[1], [1], [0], [0], [0, 0, 1, 0], [], []>, precision = #tpu.contract_precision<fp32>, transpose_lhs_hint = false} : vector<1x16xf32>, vector<64x16xf32>, vector<1x64xf32> -> vector<1x64xf32>
    %dot_general3A_48 = arith.constant dense<0.000000e+00> : vector<1x10240xf32>
    %dot_general3A_49 = tpu.matmul %dot_general3A_47, %select_n3A, %dot_general3A_48 {dimension_numbers = #tpu.dot_dimension_numbers<[1], [0], [0], [1], [0, 0, 1, 1], [], []>, precision = #tpu.contract_precision<fp32>, transpose_lhs_hint = false} : vector<1x64xf32>, vector<64x10240xf32>, vector<1x10240xf32> -> vector<1x10240xf32>
    %convert_element_type3A_50 = arith.fptosi %dot_general3A_49 : vector<1x10240xf32> to vector<1x10240xi32>
    %mul3A_51 = arith.constant 65536 : i32
    %mul3A_52 = vector.broadcast %mul3A_51 : i32 to vector<1x10240xi32>
    %mul3A_53 = arith.muli %convert_element_type3A_50, %mul3A_52 : vector<1x10240xi32>
    %dot_general3A_54 = arith.constant dense<0.000000e+00> : vector<1x64xf32>
    %dot_general3A_55 = tpu.matmul %select_n3A_37, %convert_element_type3A_28, %dot_general3A_54 {dimension_numbers = #tpu.dot_dimension_numbers<[1], [1], [0], [0], [0, 0, 1, 0], [], []>, precision = #tpu.contract_precision<fp32>, transpose_lhs_hint = false} : vector<1x16xf32>, vector<64x16xf32>, vector<1x64xf32> -> vector<1x64xf32>
    %dot_general3A_56 = arith.constant dense<0.000000e+00> : vector<1x10240xf32>
    %dot_general3A_57 = tpu.matmul %dot_general3A_55, %select_n3A, %dot_general3A_56 {dimension_numbers = #tpu.dot_dimension_numbers<[1], [0], [0], [1], [0, 0, 1, 1], [], []>, precision = #tpu.contract_precision<fp32>, transpose_lhs_hint = false} : vector<1x64xf32>, vector<64x10240xf32>, vector<1x10240xf32> -> vector<1x10240xf32>
    %convert_element_type3A_58 = arith.fptosi %dot_general3A_57 : vector<1x10240xf32> to vector<1x10240xi32>
    %add3A = arith.addi %mul3A_53, %convert_element_type3A_58 : vector<1x10240xi32>
    %dot_general3A_59 = arith.constant dense<0.000000e+00> : vector<1x64xf32>
    %dot_general3A_60 = tpu.matmul %select_n3A_45, %convert_element_type3A, %dot_general3A_59 {dimension_numbers = #tpu.dot_dimension_numbers<[1], [1], [0], [0], [0, 0, 1, 0], [], []>, precision = #tpu.contract_precision<fp32>, transpose_lhs_hint = false} : vector<1x16xf32>, vector<64x16xf32>, vector<1x64xf32> -> vector<1x64xf32>
    %dot_general3A_61 = arith.constant dense<0.000000e+00> : vector<1x10240xf32>
    %dot_general3A_62 = tpu.matmul %dot_general3A_60, %select_n3A, %dot_general3A_61 {dimension_numbers = #tpu.dot_dimension_numbers<[1], [0], [0], [1], [0, 0, 1, 1], [], []>, precision = #tpu.contract_precision<fp32>, transpose_lhs_hint = false} : vector<1x64xf32>, vector<64x10240xf32>, vector<1x10240xf32> -> vector<1x10240xf32>
    %convert_element_type3A_63 = arith.fptosi %dot_general3A_62 : vector<1x10240xf32> to vector<1x10240xi32>
    %mul3A_64 = arith.constant 65536 : i32
    %mul3A_65 = vector.broadcast %mul3A_64 : i32 to vector<1x10240xi32>
    %mul3A_66 = arith.muli %convert_element_type3A_63, %mul3A_65 : vector<1x10240xi32>
    %dot_general3A_67 = arith.constant dense<0.000000e+00> : vector<1x64xf32>
    %dot_general3A_68 = tpu.matmul %select_n3A_45, %convert_element_type3A_28, %dot_general3A_67 {dimension_numbers = #tpu.dot_dimension_numbers<[1], [1], [0], [0], [0, 0, 1, 0], [], []>, precision = #tpu.contract_precision<fp32>, transpose_lhs_hint = false} : vector<1x16xf32>, vector<64x16xf32>, vector<1x64xf32> -> vector<1x64xf32>
    %dot_general3A_69 = arith.constant dense<0.000000e+00> : vector<1x10240xf32>
    %dot_general3A_70 = tpu.matmul %dot_general3A_68, %select_n3A, %dot_general3A_69 {dimension_numbers = #tpu.dot_dimension_numbers<[1], [0], [0], [1], [0, 0, 1, 1], [], []>, precision = #tpu.contract_precision<fp32>, transpose_lhs_hint = false} : vector<1x64xf32>, vector<64x10240xf32>, vector<1x10240xf32> -> vector<1x10240xf32>
    %convert_element_type3A_71 = arith.fptosi %dot_general3A_70 : vector<1x10240xf32> to vector<1x10240xi32>
    %add3A_72 = arith.addi %mul3A_66, %convert_element_type3A_71 : vector<1x10240xi32>
    %iota3A_73 = tpu.iota {dimensions = array<i32: 1>} : vector<1x10240xi32>
    %lt3A = arith.cmpi slt, %get3A_10, %add3A : vector<1x10240xi32>
    %eq3A_74 = arith.cmpi eq, %get3A_10, %add3A : vector<1x10240xi32>
    %le3A = arith.cmpi sle, %iota3A_73, %add3A_72 : vector<1x10240xi32>
    %and3A_75 = arith.andi %eq3A_74, %le3A : vector<1x10240xi1>
    %or3A = arith.ori %lt3A, %and3A_75 : vector<1x10240xi1>
    %tanh3A = math.tanh %get3A_7 : vector<1x10240xf32>
    %jit3A_76 = arith.constant 0.000000e+00 : f32
    %broadcast_in_dim3A_77 = vector.broadcast %jit3A_76 : f32 to vector<1x10240xf32>
    %select_n3A_78 = arith.select %or3A, %tanh3A, %broadcast_in_dim3A_77 : vector<1x10240xi1>, vector<1x10240xf32>
    %mul3A_79 = vector.broadcast %select_n3A_78 : vector<1x10240xf32> to vector<64x10240xf32>
    %mul3A_80 = arith.mulf %select_n3A, %mul3A_79 : vector<64x10240xf32>
    %dot_general3A_81 = arith.constant dense<0.000000e+00> : vector<64x256xf32>
    %dot_general3A_82 = tpu.matmul %mul3A_80, %get3A_1, %dot_general3A_81 {dimension_numbers = #tpu.dot_dimension_numbers<[1], [0], [0], [1], [0, 0, 1, 1], [], []>, transpose_lhs_hint = false} : vector<64x10240xf32>, vector<10240x256xf32>, vector<64x256xf32> -> vector<64x256xf32>
    %max3A = arith.constant 1.000000e+00 : f32
    %max3A_83 = vector.broadcast %max3A : f32 to vector<1x64xf32>
    %max3A_84 = arith.maximumf %ceil3A, %max3A_83 : vector<1x64xf32>
    %div3A = arith.constant 1.000000e+00 : f32
    %div3A_85 = vector.broadcast %div3A : f32 to vector<1x64xf32>
    %div3A_86 = arith.divf %div3A_85, %max3A_84 : vector<1x64xf32>
    %eq3A_87 = vector.broadcast %iota3A : vector<64x1xi32> to vector<64x64xi32>
    %eq3A_88 = vector.broadcast %iota3A_14 : vector<1x64xi32> to vector<64x64xi32>
    %eq3A_89 = arith.cmpi eq, %eq3A_87, %eq3A_88 : vector<64x64xi32>
    %jit3A_90 = arith.constant 1.000000e+00 : f32
    %jit3A_91 = arith.constant 0.000000e+00 : f32
    %broadcast_in_dim3A_92 = vector.broadcast %jit3A_90 : f32 to vector<64x64xf32>
    %broadcast_in_dim3A_93 = vector.broadcast %jit3A_91 : f32 to vector<64x64xf32>
    %select_n3A_94 = arith.select %eq3A_89, %broadcast_in_dim3A_92, %broadcast_in_dim3A_93 : vector<64x64xi1>, vector<64x64xf32>
    %dot_general3A_95 = arith.constant dense<0.000000e+00> : vector<64x1xf32>
    %dot_general3A_96 = tpu.matmul %select_n3A_94, %div3A_86, %dot_general3A_95 {dimension_numbers = #tpu.dot_dimension_numbers<[1], [1], [0], [0], [0, 0, 1, 0], [], []>, transpose_lhs_hint = false} : vector<64x64xf32>, vector<1x64xf32>, vector<64x1xf32> -> vector<64x1xf32>
    %mul3A_97 = vector.broadcast %dot_general3A_96 : vector<64x1xf32> to vector<64x256xf32>
    %mul3A_98 = arith.mulf %dot_general3A_82, %mul3A_97 : vector<64x256xf32>
    %swap3A = arith.constant 0 : index
    %swap3A_99 = arith.constant 0 : index
    %swap3A_100 = vector.load %arg5[%swap3A, %swap3A_99] : memref<64x256xf32, #tpu.memory_space<vmem>>, vector<64x256xf32>
    tpu.vector_store %arg5[%swap3A, %swap3A_99], %mul3A_98 {strides = array<i32>} : memref<64x256xf32, #tpu.memory_space<vmem>>, vector<64x256xf32>,
    return
  }
}

</mosaic_0001>

<sc_bundles>
// kernel: kernel.5.cloned.1.call-start
scs
__scs_entry_jumppad:
0x0: {  	(pc) =	sbr.rel $0x88, $3  }
0x1: {  	(tag) =	ssettag $0x0;
	lr =	simm.s32 $0x1  }
0x2: {  	[smem:$0x3F9E] =	sst lr;
	_ =	strace $0xD0000000  }
0x3: {  	_ = 	snop  }
0x4: {  	_ = 	snop  }
0x5: {  	_ = 	snop  }
0x6: {  	_ = 	snop  }
0x7: {  	_ = 	snop  }
__scs_overlays_trampoline_lowered:
0x8: {  	[smem:$0x3FAD] =	sst s0  }
0x9: {  	[smem:$0x3FAE] =	sst s1  }
0xa: {  	[smem:$0x3FAF] =	sst s2  }
0xb: {  	[smem:$0x3FB0] =	sst s3  }
0xc: {  	[smem:$0x3FB1] =	sst s4  }
0xd: {  	[smem:$0x3FB2] =	sst s5  }
0xe: {  	[smem:$0x3FB3] =	sst s6  }
0xf: {  	[smem:$0x3FB4] =	sst s7  }
0x10: {  	[smem:$0x3FB5] =	sst s8  }
0x11: {  	[smem:$0x3FB6] =	sst s9;
	s0 =	simm.s32 @!p0 $0x0  }
0x12: {  	s1 =	sld [smem:$0x3F9C];
	s0 =	simm.s32 @p0 $0x1  }
0x13: {  	[smem:$0x3FB7] =	sst s0;
	s0 =	simm.s32 @!p1 $0x0  }
0x14: {  	s2 =	sld [smem:$0x3F9B];
	s0 =	simm.s32 @p1 $0x1  }
0x15: {  	[smem:$0x3FB8] =	sst s0;
	s0 =	simm.s32 @!p2 $0x0  }
0x16: {  	s3 =	sld [smem:$0x3FDB];
	s0 =	simm.s32 @p2 $0x1  }
0x17: {  	s4 =	simm.s32 $0x1BF5;
	[smem:$0x3FBA] =	sst s0  }
0x18: {  	s0 =	sld [smem:$0x3F9D];
	_ =	swait.ge [sflag:s4], $0x0  }
0x19: {  	s7 =	sld [smem:$0x3F9E]  }
0x1a: {  	s8 =	sadd.s32 $0xFFFFE003, lr  }
0x1b: {  	s9 =	sadd.s32 $0xFFFFFEF7, lr;
	s5 =	simm.s32 $0xFFFFFFFF;
	p2 =	slt.u32 s8, $0xFFFFF086  }
0x1c: {  	p1 =	slt.u32 s9, $0xF7A;
	s5 =	simm.s32 @!p2 $0x0  }
0x1d: {  	s5 =	simm.s32 @p1 $0x1;
	p0 =	seq.s32 s7, s2  }
0x1e: {  	s7 =	smul.u32 @!p0 $0xF7A, s2;
	p2 =	seq.s32 @!p0 s5, $0x0  }
0x1f: {  	s9 =	smul.u32 $0xF7A, s1;
	s8 =	simm.s32 @!p0 $0x1BF5;
	p2 =	por !p2, p0  }
0x20: {  	[sflag:s8] =	ssyncset.s32 @!p0 $0xFFFFF086;
	s6 =	sadd.s32 @!p0 s3, s7;
	s7 =	simm.s32 @!p0 $0x108  }
0x21: {  	s3 =	sadd.s32 s3, s9;
	s6 =	sadd.s32 @!p0 $0x88, s6;
	s7 =	simm.s32 @p2 $0x1082  }
0x22: {  	[simem:s7], [sflag:s8] =	dma.local @!p0 [hbm:s6], $0xF7A  }
0x23: {  	s9 =	sor.u32 $0xD0000000, s2;
	s6 =	simm.s32 $0x108;
	_ =	swait.ge @!p0 [sflag:s8], $0x0  }
0x24: {  	s3 =	sadd.s32 $0x88, s3;
	s6 =	simm.s32 @!p1 $0x1082;
	[sflag:s4] =	ssyncset.s32 $0xFFFFF086  }
0x25: {  	[simem:s6], [sflag:s4] =	dma.local [hbm:s3], $0xF7A  }
0x26: {  	[smem:$0x3F9E] =	sst s1;
	(tag) =	ssettag s2;
	_ =	strace s9  }
0x27: {  	s1 =	sld [smem:$0x3FAE]  }
0x28: {  	s2 =	sld [smem:$0x3FAF]  }
0x29: {  	s4 =	sld [smem:$0x3FB1]  }
0x2a: {  	p0 =	seq.s32 s5, $0x0;
	s5 =	sld [smem:$0x3FB2]  }
0x2b: {  	s6 =	sld [smem:$0x3FB3]  }
0x2c: {  	s7 =	sld [smem:$0x3FB4]  }
0x2d: {  	s3 =	simm.s32 $0x108;
	s8 =	sld [smem:$0x3FB5]  }
0x2e: {  	s3 =	simm.s32 @!p0 $0x1082;
	s9 =	sld [smem:$0x3FB6]  }
0x2f: {  	lr =	sadd.s32 s0, s3;
	s0 =	sld [smem:$0x3FAD]  }
0x30: {  	s3 =	sld [smem:$0x3FB0]  }
0x31: {  	[smem:$0x3FB9] =	sst s10  }
0x32: {  	s10 =	sld [smem:$0x3FB7];
	_ =	sdelay $0x3  }
0x33: {  	p0 =	seq.s32 s10, $0x1;
	s10 =	sld [smem:$0x3FB9];
	_ =	sdelay $0x3  }
0x34: {  	[smem:$0x3FB9] =	sst s10  }
0x35: {  	s10 =	sld [smem:$0x3FB8];
	_ =	sdelay $0x3  }
0x36: {  	p1 =	seq.s32 s10, $0x1;
	s10 =	sld [smem:$0x3FB9];
	_ =	sdelay $0x3  }
0x37: {  	[smem:$0x3FB9] =	sst s10  }
0x38: {  	s10 =	sld [smem:$0x3FBA]  }
0x39: {  	_ = 	snop;
	(pc) =	sbr.ind lr, $3  }
0x3a: {  	_ = 	snop  }
0x3b: {  	_ = 	snop  }
0x3c: {  	p2 =	seq.s32 s10, $0x1;
	s10 =	sld [smem:$0x3FB9]  }
0x3d: {  	_ =	shalt  }
0x3e: {  	_ =	shalt  }
0x3f: {  	_ =	shalt  }
0x40: {  	_ =	shalt  }
0x41: {  	_ =	shalt  }
0x42: {  	_ =	shalt  }
0x43: {  	_ =	shalt  }
0x44: {  	_ =	shalt  }
0x45: {  	_ =	shalt  }
0x46: {  	_ =	shalt  }
0x47: {  	_ =	shalt  }
0x48: {  	_ =	shalt  }
0x49: {  	_ =	shalt  }
0x4a: {  	_ =	shalt  }
0x4b: {  	_ =	shalt  }
0x4c: {  	_ =	shalt  }
0x4d: {  	_ =	shalt  }
0x4e: {  	_ =	shalt  }
0x4f: {  	_ =	shalt  }
0x50: {  	_ =	shalt  }
0x51: {  	_ =	shalt  }
0x52: {  	_ =	shalt  }
0x53: {  	_ =	shalt  }
0x54: {  	_ =	shalt  }
0x55: {  	_ =	shalt  }
0x56: {  	_ =	shalt  }
0x57: {  	_ =	shalt  }
0x58: {  	_ =	shalt  }
0x59: {  	_ =	shalt  }
0x5a: {  	_ =	shalt  }
0x5b: {  	_ =	shalt  }
0x5c: {  	_ =	shalt  }
0x5d: {  	_ =	shalt  }
0x5e: {  	_ =	shalt  }
0x5f: {  	_ =	shalt  }
0x60: {  	_ =	shalt  }
0x61: {  	_ =	shalt  }
0x62: {  	_ =	shalt  }
0x63: {  	_ =	shalt  }
0x64: {  	_ =	shalt  }
0x65: {  	_ =	shalt  }
0x66: {  	_ =	shalt  }
0x67: {  	_ =	shalt  }
0x68: {  	_ =	shalt  }
0x69: {  	_ =	shalt  }
0x6a: {  	_ =	shalt  }
0x6b: {  	_ =	shalt  }
0x6c: {  	_ =	shalt  }
0x6d: {  	_ =	shalt  }
0x6e: {  	_ =	shalt  }
0x6f: {  	_ =	shalt  }
0x70: {  	_ =	shalt  }
0x71: {  	_ =	shalt  }
0x72: {  	_ =	shalt  }
0x73: {  	_ =	shalt  }
0x74: {  	_ =	shalt  }
0x75: {  	_ =	shalt  }
0x76: {  	_ =	shalt  }
0x77: {  	_ =	shalt  }
0x78: {  	_ =	shalt  }
0x79: {  	_ =	shalt  }
0x7a: {  	_ =	shalt  }
0x7b: {  	_ =	shalt  }
0x7c: {  	_ =	shalt  }
0x7d: {  	_ =	shalt  }
0x7e: {  	_ =	shalt  }
0x7f: {  	_ =	shalt  }
0x80: {  	_ =	shalt  }
0x81: {  	_ =	shalt  }
0x82: {  	_ =	shalt  }
0x83: {  	_ =	shalt  }
0x84: {  	_ =	shalt  }
0x85: {  	_ =	shalt  }
0x86: {  	_ =	shalt  }
0x87: {  	_ =	shalt  }
.Lfunc_end0:
.L_simem_size_0:
called_computation_lowered:
.L_overlay_start_0:
0x88: {  	s2 =	sld [smem:$0x3FD9]  }
0x89: {  	s3 =	sld [smem:$0x3FFE];
	_ =	sdelay $0x1  }
0x8a: {  	s1 =	srdreg.scid  }
0x8b: {  	s0 =	sand.u32 $0x1, s1  }
0x8c: {  	s17 =	sshll.u32 s0, $0xA;
	s2 =	sadd.s32 s3, s2  }
0x8d: {  	s2 =	sadd.s32 s2, s17  }
0x8e: {  	[smem:$0x3FC5] =	sst s2  }
0x8f: {  	_ = 	snop  }
0x90: {  	s2 =	sld [smem:$0x3FD0];
	(tm) =	ssettm $0x1  }
0x91: {  	s18 =	sld [smem:$0x3FFB];
	_ =	sdelay $0x3  }
0x92: {  	_ =	strace s18  }
0x93: {  	s3 =	sld [smem:$0x3FFC];
	_ =	sdelay $0x3  }
0x94: {  	_ =	strace s3  }
0x95: {  	s3 =	sld [smem:$0x3FFD];
	_ =	sdelay $0x3  }
0x96: {  	_ =	strace s3  }
0x97: {  	_ =	strace $0x8FFFFFFF  }
0x98: {  	s19 =	sld [smem:$0x3FDB];
	_ =	sdelay $0x1  }
0x99: {  	s4 =	simm.s32 $_scs_section_size  }
0x9a: {  	s5 =	simm.s32 $_size__tile_overlayer_lowered;
	s6 =	simm.s32 $_tile_overlayer_lowered  }
0x9b: {  	s22 =	simm.s32 $0x1BFF;
	s21 =	sshll.u32 s6, $0x1;
	s3 =	sadd.s32 s4, s19  }
0x9c: {  	s7 =	simm.s32 $0x0;
	s20 =	sshll.u32 s5, $0x1;
	s5 =	sadd.s32 s21, s3  }
0x9d: {  	[timem:s7], [sflag:s22] =	dma.local [hbm:s5], s20  }
0x9e: {  	_ =	swait.ge [sflag:s22], s20  }
0x9f: {  	s4 =	ssub.s32 $0x0, s20;
	[sflag:s22] =	ssyncset.done $0x0  }
0xa0: {  	[sflag:s22] =	ssyncadd.s32 s4;
	_ =	sdelay $0x1  }
0xa1: {  	s23 =	simm.s32 $0x1B8B  }
0xa2: {  	_ =	swait.ge [sflag:s23], $0x1  }
0xa3: {  	[sflag:s23] =	ssyncset.done $0x0  }
0xa4: {  	s25 =	simm.s32 $0x1B8E;
	s24 =	sld [smem:$0x3FFE];
	[sflag:s23] =	ssyncadd.s32 $0xFFFFFFFF  }
0xa5: {  	s26 =	simm.s32 $execute0_lowered;
	[smem:$0x3FD2] =	sst s25  }
0xa6: {  	s5 =	sshll.u32 s26, $0x1;
	_ =	strace $0x80000046;
	[dreg:$0x1] =	wrdreg $0xFFFFFFFF  }
0xa7: {  	s28 =	simm.s32 $_size_execute0_lowered;
	s3 =	sadd.s32 s3, s5;
	[dreg:$0x0] =	wrdreg $0x0  }
0xa8: {  	s5 =	sshll.u32 s28, $0x1;
	[dreg:$0x2] =	wrdreg s3  }
0xa9: {  	[dreg:$0x3] =	wrdreg s5  }
0xaa: {  	[dreg:$0x4] =	wrdreg $0xC0  }
0xab: {  	_ =	task [dreg:s7], $0x5FFFF  }
0xac: {  	[dreg:$0x1] =	wrdreg $0xFFFFFFFF  }
0xad: {  	[dreg:$0x0] =	wrdreg $0x60  }
0xae: {  	[dreg:$0x2] =	wrdreg s2  }
0xaf: {  	[dreg:$0x3] =	wrdreg s24  }
0xb0: {  	[dreg:$0x4] =	wrdreg $0x9  }
0xb1: {  	_ =	task.clear_ibuf [dreg:s7], $0x5FFFF;
	_ =	strace $0x90000046  }
0xb2: {  	s29 =	simm.s32 $0x9;
	_ =	strace $0x80000048  }
0xb3: {  	_ =	swait.ge [sflag:s29], $0x1  }
0xb4: {  	[sflag:s29] =	ssyncadd.s32 $0xFFFFFFFF  }
0xb5: {  	_ =	strace $0x90000048  }
0xb6: {  	_ =	sfence  }
0xb7: {  	s30 =	sld [smem:$0x0];
	_ =	sdelay $0x2  }
0xb8: {  	s31 =	sshll.u32 s1, $0xD;
	s1 =	sshrl.u32 s1, $0x2  }
0xb9: {  	s3 =	sand.u32 $0x4000, s31;
	s1 =	sadd.s32 s1, s30  }
0xba: {  	s0 =	sor.u32 s3, s0;
	s1 =	sshll.u32 s1, $0x11  }
0xbb: {  	s0 =	sor.u32 s1, s0  }
0xbc: {  	s0 =	sadd.s32 $0x8F2B, s0  }
0xbd: {  	[sflag:s0] =	ssyncadd.remote.s32 $0x1  }
0xbe: {  	_ =	sfence.sel $0xFFFF  }
0xbf: {  	[dreg:$0x0] =	wrdreg $0xFFFFFFFF;
	(pc) =	sbr.abs _section_cstart, $3  }
0xc0: {  	[dreg:$0x1] =	wrdreg $0xFFFFFFFF  }
0xc1: {  	_ =	task.clear_ibuf [dreg:s7], $0x2FFFF;
	_ =	strace $0x9FFFFFFF  }
0xc2: {  	(tm) =	ssettm $0x7FFFFFFF  }
0xc3: {  	_ =	shalt  }
tec
execute0_lowered:
.L_overlay_start_1:
0x0: {  	(tag) =	ssettag $0x1  }
0x1: {  	s1 =	rddreg [dreg:$0x0]  }
0x2: {  	s6 =	rddreg [dreg:$0x1]  }
0x3: {  	s0 =	rddreg [dreg:$0x2];
	s3 =	simm.s32 $0x0;
	s4 =	srdreg.scid  }
0x4: {  	s2 =	stileid.u32;
	[smem:$0x7FF] =	sst s3  }
0x5: {  	s7 =	sand.u32 $0x1, s4;
	s4 =	sadd.s32 $0xE00, s6;
	s8 =	sshll.u32 s2, $0x2  }
0x6: {  	s5 =	sadd.s32 $0x1000, s6;
	s6 =	sadd.s32 $0x1200, s6;
	s31 =	sshll.u32 s2, $0x6  }
0x7: {  	_ =	strace $0x80000047;
	s9 =	sshll.u32 s7, $0x1;
	s7 =	ssub.s32 $0x2, s7  }
0x8: {  	s8 =	sor.u32 s9, s8;
	s11 =	sshrl.u32 s7, $0x1;
	s9 =	sand.u32 $0x380, s31  }
.Ltmp0:
0x9: {  	s10 =	sor.u32 $0x1, s8;
	s13 =	sshll.u32 s8, $0x4;
	(pc) =	sbr.rel .LBB2_1-.Ltmp0, $4  }
0xa: {  	s9 =	sadd.s32 s6, s9;
	s11 =	ssub.s32 s7, s11;
	s12 =	sshll.u32 s10, $0x4  }
0xb: {  	v0 =	vmov s8;
	s6 =	sadd.s32 s6, s13;
	v1 =	vmov s10;
	s8 =	smax.u32 s11, $0x1;
	s10 =	simm.s32 $0x2800  }
0xc: {  	v2 =	vlaneseq.u32;
	v3 =	vimm.s32 $0x0;
	s11 =	simm.s32 $0x2880;
	s13 =	simm.s32 $0x0;
	s12 =	sand.u32 $0x70, s12  }
0xd: {  	vm0 =	vcmask $0x300;
	vm1 =	vcmask $0x704;
	v0 =	vbroadcast v0, $0x0;
	s7 =	sadd.s32 s12, s9;
	s9 =	simm.s32 $0x1;
	s12 =	simm.s32 $0x2900  }
.LBB2_100:
0xe: {  	s21 =	simm.s32 $0x0;
	s19 =	simm.s32 $0x0  }
0xf: {  	s16 =	simm.s32 $0xFFFFFFFF;
	p0 =	por $0x0, $0x0;
	p3 =	por $0x0, $0x0  }
.LBB2_106:
0x10: {  	v8 =	vadd.s32 @p0 s21, v8  }
0x11: {  	v9 =	vxor.u32 @p0 $0x80000000, v8  }
0x12: {  	(xrf0) =	vmax.scan.msk.u32 @p0 $0xffff, v9  }
0x13: {  	s19 =	sadd.s32 @p0 $0x10, s19;
	s20 =	simm.s32 $0x0  }
0x14: {  	s20 =	smov.u32 @p0 s19  }
0x15: {  	v60 =	vor.u32 s20, v2  }
0x16: {  	s15 =	sadd.s32 s20, s15;
	vm3 =	vlt.s32 v60, v4  }
0x17: {  	v4 =	vadd.s32 s15, v2  }
0x18: {  	v9, _, _ =	vpop @p0 (xrf0)  }
0x19: {  	(v2sf) =	vpush @p0 v9, $0xF;
	_ =	sdelay $0x2  }
0x1a: {  	v61 =	vld.idx.msk [tilespmem:v4+s3+$0x0], vm3;
	_ =	sdelay $0x3  }
0x1b: {  	vm4 =	veq.s32 @p0 v8, v6  }
0x1c: {  	v5 =	vxor.u32 @p0 $0x80000000, v5;
	vm2 =	vmand @p0 vm2, vm4;
	vm15 =	veq.s32 v61, v7  }
0x1d: {  	v5 =	vnsel @p0 vm2, $0x7FFFFFFF, v5;
	vm2 =	vmand vm3, vm15  }
0x1e: {  	(xrf0) =	vmax.scan.msk.u32 @p0 $0xffff, v5;
	v5 =	vsel vm2, $0x1, v3  }
0x1f: {  	(xrf0) =	vadd.scan.msk.s32 $0xffff, v5;
	_ =	sdelay $0x2  }
0x20: {  	s15 =	spop @p3 (v2sf)  }
0x21: {  	s19 =	spop @p0 (v2sf)  }
0x22: {  	v5, _, _ =	vpop @p0 (xrf0);
	s19 =	sxor.u32 @p0 $0x80000000, s19  }
0x23: {  	v62, _, _ =	vpop (xrf0);
	s18 =	smov.u32 @p0 s19  }
0x24: {  	v7 =	vadd.s32 s18, v62  }
0x25: {  	vm3 =	veq.s32 v7, v6  }
0x26: {  	v4 =	vxor.u32 $0x80000000, v4;
	v63 =	vxor.u32 $0x80000000, v7;
	vm2 =	vmand vm2, vm3  }
0x27: {  	(xrf0) =	vmax.scan.msk.u32 $0xffff, v63;
	v4 =	vnsel vm2, $0x7FFFFFFF, v4  }
0x28: {  	(xrf0) =	vmax.scan.msk.u32 $0xffff, v4;
	_ =	sdelay $0x2  }
0x29: {  	(v2sf) =	vpush @p0 v5, $0xF;
	_ =	sdelay $0x1  }
0x2a: {  	v4, _, _ =	vpop (xrf0)  }
0x2b: {  	(v2sf) =	vpush v4, $0xF;
	v4, _, _ =	vpop (xrf0)  }
0x2c: {  	(v2sf) =	vpush v4, $0xF;
	_ =	sdelay $0x7  }
0x2d: {  	s15 =	sxor.u32 @p3 $0x80000000, s15  }
0x2e: {  	p1 =	sgt.s32 @p3 s16, s15  }
0x2f: {  	p1 =	por !p1, !p3  }
0x30: {  	s16 =	smov.u32 @p1 s15;
	s15 =	simm.s32 $0xFFFFFFFF;
	s18 =	spop @p0 (v2sf)  }
0x31: {  	s15 =	smov.u32 @p3 s16;
	s16 =	sxor.u32 @p0 $0x80000000, s18  }
0x32: {  	p1 =	sgt.s32 @p0 s15, s16  }
0x33: {  	p1 =	por !p1, !p0;
	s30 =	spop (v2sf)  }
0x34: {  	s15 =	smov.u32 @p1 s16;
	s31 =	spop (v2sf)  }
0x35: {  	s17 =	smov.u32 @p0 s15;
	s15 =	sxor.u32 $0x80000000, s31  }
0x36: {  	p0 =	sgt.s32 s17, s15  }
0x37: {  	s15 =	smov.u32 @p0 s17  }
.LBB2_107:
0x38: {  	v4 =	vmov s14  }
0x39: {  	s13 =	sadd.s32 $0x1, s13;
	v4 =	vnsel vm0, $0x0, v4  }
0x3a: {  	p0 =	sne.s32 s13, s8;
	v4 =	vsel vm1, s15, v4  }
.Ltmp1:
0x3b: {  	[tilespmem:$0x2900] =	vst v4;
	(pc) =	sbr.rel @!p0 .LBB2_108-.Ltmp1, $4  }
0x3c: {  	[hbm4b:s7+s3] =	stream.linear.scatter [tilespmem:s12], [sflag:$0x1], $0x80, $0x38;
	[tilespmem:$0x2980] =	vst v63  }
0x3d: {  	_ =	swait.ge [sflag:s9], $0x80  }
0x3e: {  	[sflag:s9] =	ssyncset.done $0x0  }
0x3f: {  	[sflag:s9] =	ssyncadd.s32 $0xFFFFFF80  }
.LBB2_1:
0x40: {  	[tilespmem:s3], [sflag:$0x1] =	stream.linear.gather [hbm4b:s1+s3], $0x2800, $0x38;
	[tilespmem:$0x2980] =	vst v63  }
0x41: {  	_ =	swait.ge [sflag:s9], $0x2800  }
0x42: {  	[sflag:s9] =	ssyncset.done $0x0  }
0x43: {  	[sflag:s9] =	ssyncadd.s32 $0xFFFFD800  }
0x44: {  	[tilespmem:s10], [sflag:$0x1] =	stream.linear.gather [hbm4b:s4+s3], $0x80, $0x38;
	[tilespmem:$0x2980] =	vst v63  }
0x45: {  	_ =	swait.ge [sflag:s9], $0x80  }
0x46: {  	[sflag:s9] =	ssyncset.done $0x0  }
0x47: {  	[sflag:s9] =	ssyncadd.s32 $0xFFFFFF80  }
0x48: {  	[tilespmem:s11], [sflag:$0x1] =	stream.linear.gather [hbm4b:s5+s3], $0x80, $0x38;
	[tilespmem:$0x2980] =	vst v63  }
0x49: {  	_ =	swait.ge [sflag:s9], $0x80  }
0x4a: {  	[sflag:s9] =	ssyncset.done $0x0  }
0x4b: {  	[sflag:s9] =	ssyncadd.s32 $0xFFFFFF80  }
0x4c: {  	v4 =	vld.idx.msk [tilespmem:v0+s10+$0x0], $0xffff;
	_ =	sdelay $0x4  }
0x4d: {  	v4 =	vxor.u32 $0x80000000, v4  }
0x4e: {  	(xrf0) =	vmax.scan.msk.u32 $0xffff, v4;
	_ =	sdelay $0x5  }
0x4f: {  	v5, _, _ =	vpop (xrf0)  }
0x50: {  	v4 =	vld.idx.msk [tilespmem:v0+s11+$0x0], $0xffff;
	(v2sf) =	vpush v5, $0xF;
	_ =	sdelay $0x4  }
0x51: {  	v4 =	vxor.u32 $0x80000000, v4  }
0x52: {  	(xrf0) =	vmax.scan.msk.u32 $0xffff, v4;
	_ =	sdelay $0x5  }
0x53: {  	v4, _, _ =	vpop (xrf0)  }
0x54: {  	(v2sf) =	vpush v4, $0xF;
	_ =	sdelay $0x1  }
0x55: {  	s17 =	spop (v2sf)  }
0x56: {  	s14 =	sadd.s32 $0x8000000F, s17  }
0x57: {  	s15 =	sand.u32 $0xF, s14  }
0x58: {  	s16 =	sshra.s32 s14, $0x1F;
	p0 =	slt.s32 s14, $0x1;
	p1 =	sne.s32 s15, $0x0  }
0x59: {  	s31 =	sshrl.u32 s16, $0x1C;
	p0 =	por !p0, !p1  }
0x5a: {  	s15 =	simm.s32 $0x1;
	s14 =	sadd.s32 s31, s14;
	p0 =	por !p0, !p0  }
0x5b: {  	s14 =	sshra.s32 s14, $0x4;
	s15 =	simm.s32 @!p0 $0x0  }
0x5c: {  	s21 =	ssub.s32 s14, s15  }
0x5d: {  	p0 =	slt.s32 s21, $0x1  }
.Ltmp2:
0x5e: {  	_ = 	snop;
	(pc) =	sbr.rel @p0 .LBB2_54-.Ltmp2, $3  }
0x5f: {  	_ =	sdelay $0x1  }
0x60: {  	s19 =	simm.s32 $0x80000000;
	s20 =	simm.s32 $0xFFFFFFFF  }
0x61: {  	s16 =	spop (v2sf);
	s15 =	simm.s32 $0xFFFFFFFF;
	s14 =	simm.s32 $0x80000000  }
0x62: {  	s18 =	sadd.s32 $0x80000001, s17;
	p0 =	slt.s32 s17, $0xFFFFFFFF;
	s19 =	simm.s32 $0x1  }
0x63: {  	s19 =	simm.s32 @!p0 $0x0;
	s20 =	sshra.s32 s18, $0x1F  }
0x64: {  	s29 =	sand.u32 $0x1, s18;
	s19 =	sadd.s32 s19, s20  }
0x65: {  	s16 =	sxor.u32 $0x80000000, s16;
	p1 =	seq.s32 s29, $0x1;
	p6 =	sne.s32 s19, $0x1  }
0x66: {  	s31 =	sxor.u32 $0x80000000, s17;
	s22 =	simm.s32 $0x0;
	p0 =	por !p6, !p1  }
0x67: {  	s17 =	sadd.s32 $0xFFFFFFFF, s21;
	s19 =	simm.s32 $0x1;
	p0 =	por !p0, !p0  }
0x68: {  	p2 =	por $0x0, $0x0;
	s19 =	simm.s32 @!p0 $0x0;
	p0 =	sne.s32 s21, $0x1  }
.Ltmp3:
0x69: {  	p4 =	por $0x0, $0x0;
	s30 =	sshrl.u32 s18, $0x1F;
	(pc) =	sbr.rel @!p0 .LBB2_3-.Ltmp3, $4  }
0x6a: {  	p5 =	por $0x0, $0x0;
	s23 =	sadd.s32 $0x0, s16;
	s18 =	sadd.s32 s30, s18  }
0x6b: {  	v4 =	vmov s31;
	v5 =	vor.u32 s22, v2;
	s20 =	simm.s32 $0x80000000;
	s18 =	sshra.s32 s18, $0x1;
	s22 =	simm.s32 @!p0 $0x0  }
0x6c: {  	vm4 =	vlt.s32 v5, v4;
	p1 =	por $0x0, $0x0;
	s21 =	simm.s32 $0x10;
	s22 =	simm.s32 @p0 $0x1  }
0x6d: {  	v5 =	vadd.s32 s23, v2;
	vm2 =	vmmov vm4;
	s18 =	ssub.s32 s18, s19;
	s19 =	simm.s32 $0x7FFFFFFF;
	[smem:$0x7FD] =	sst s22  }
0x6e: {  	p6 =	sne.s32 s17, $0x1  }
.Ltmp4:
0x6f: {  	_ = 	snop;
	(pc) =	sbr.rel @!p6 .LBB2_5-.Ltmp4, $4  }
0x70: {  	_ = 	snop  }
0x71: {  	v6 =	vor.u32 s21, v2  }
0x72: {  	s22 =	sadd.s32 $0x10, s16;
	vm5 =	vlt.s32 v6, v4  }
0x73: {  	vm3 =	vmmov vm2;
	s21 =	sadd.s32 $0xFFFFFFFF, s17;
	p1 =	por $0x1, $0x1;
	v6 =	vld.idx.msk [tilespmem:v5+s3+$0x0], vm4;
	v5 =	vadd.s32 s22, v2;
	s22 =	simm.s32 $0x20;
	vm2 =	vmmov vm5  }
0x74: {  	_ =	sdelay $0x1  }
0x75: {  	p6 =	sne.s32 s21, $0x1  }
.Ltmp5:
0x76: {  	_ = 	snop;
	(pc) =	sbr.rel @!p6 .LBB2_7-.Ltmp5, $4  }
0x77: {  	v6 =	vxor.u32 $0x80000000, v6  }
0x78: {  	v7 =	vor.u32 s22, v2;
	v8 =	vnsel vm3, $0xFFFFFFFF, v6  }
0x79: {  	s31 =	sadd.s32 $0x20, s16;
	vm4 =	vlt.s32 v7, v4;
	v9 =	vnsel vm3, $0x0, v6;
	(xrf0) =	vmin.scan.msk.u32 $0xffff, v8  }
0x7a: {  	s21 =	sadd.s32 $0xFFFFFFFF, s21;
	s22 =	simm.s32 $0x30;
	p2 =	por $0x1, $0x1;
	v6 =	vld.idx.msk [tilespmem:v5+s3+$0x0], vm5;
	vm3 =	vmmov vm2;
	v5 =	vadd.s32 s31, v2;
	vm2 =	vmmov vm4;
	(xrf0) =	vmax.scan.msk.u32 $0xffff, v9  }
0x7b: {  	_ =	sdelay $0x1  }
0x7c: {  	v7 =	vor.u32 s22, v2;
	_ =	sdelay $0x1  }
0x7d: {  	v10, _, _ =	vpop (xrf0)  }
0x7e: {  	vm5 =	vlt.s32 v7, v4;
	(v2sf) =	vpush v10, $0xF;
	v7, _, _ =	vpop (xrf0)  }
0x7f: {  	(v2sf) =	vpush v7, $0xF;
	_ =	sdelay $0x5  }
0x80: {  	p6 =	sne.s32 s21, $0x1  }
.Ltmp6:
0x81: {  	_ = 	snop;
	(pc) =	sbr.rel @!p6 .LBB2_9-.Ltmp6, $4  }
0x82: {  	v6 =	vxor.u32 $0x80000000, v6  }
0x83: {  	v8 =	vnsel vm3, $0xFFFFFFFF, v6  }
0x84: {  	s31 =	sadd.s32 $0x30, s16;
	v9 =	vnsel vm3, $0x0, v6;
	(xrf0) =	vmin.scan.msk.u32 $0xffff, v8  }
0x85: {  	s21 =	sadd.s32 $0xFFFFFFFF, s21;
	s22 =	simm.s32 $0x40;
	p0 =	por $0x1, $0x1;
	v6 =	vld.idx.msk [tilespmem:v5+s3+$0x0], vm4;
	vm3 =	vmmov vm2;
	v5 =	vadd.s32 s31, v2;
	vm2 =	vmmov vm5;
	(xrf0) =	vmax.scan.msk.u32 $0xffff, v9  }
0x86: {  	_ =	sdelay $0x1  }
0x87: {  	v7 =	vor.u32 s22, v2;
	_ =	sdelay $0x1  }
0x88: {  	v10, _, _ =	vpop (xrf0)  }
0x89: {  	vm4 =	vlt.s32 v7, v4;
	(v2sf) =	vpush v10, $0xF;
	v7, _, _ =	vpop (xrf0)  }
0x8a: {  	(v2sf) =	vpush v7, $0xF;
	_ =	sdelay $0x2  }
0x8b: {  	p6 =	sne.s32 s21, $0x1  }
.Ltmp7:
0x8c: {  	_ = 	snop;
	(pc) =	sbr.rel @!p6 .LBB2_11-.Ltmp7, $4  }
0x8d: {  	v6 =	vxor.u32 $0x80000000, v6  }
0x8e: {  	s23 =	simm.s32 @!p0 $0x0;
	v8 =	vnsel vm3, $0xFFFFFFFF, v6  }
0x8f: {  	s31 =	sadd.s32 $0x40, s16;
	s21 =	sadd.s32 $0xFFFFFFFF, s21;
	s23 =	simm.s32 @p0 $0x1;
	v9 =	vnsel vm3, $0x0, v6;
	(xrf0) =	vmin.scan.msk.u32 $0xffff, v8  }
0x90: {  	s22 =	simm.s32 $0x50;
	p4 =	por $0x1, $0x1;
	[smem:$0x7FC] =	sst s23;
	v6 =	vld.idx.msk [tilespmem:v5+s3+$0x0], vm5;
	vm3 =	vmmov vm2;
	v5 =	vadd.s32 s31, v2;
	vm2 =	vmmov vm4;
	(xrf0) =	vmax.scan.msk.u32 $0xffff, v9  }
0x91: {  	_ =	sdelay $0x1  }
0x92: {  	v7 =	vor.u32 s22, v2;
	_ =	sdelay $0x1  }
0x93: {  	v10, _, _ =	vpop (xrf0)  }
0x94: {  	vm5 =	vlt.s32 v7, v4;
	(v2sf) =	vpush v10, $0xF;
	v7, _, _ =	vpop (xrf0)  }
0x95: {  	(v2sf) =	vpush v7, $0xF;
	_ =	sdelay $0x2  }
0x96: {  	p6 =	sne.s32 s21, $0x1  }
.Ltmp8:
0x97: {  	_ = 	snop;
	(pc) =	sbr.rel @!p6 .LBB2_13-.Ltmp8, $4  }
0x98: {  	s25 =	sadd.s32 $0x50, s16;
	v6 =	vxor.u32 $0x80000000, v6  }
0x99: {  	v8 =	vnsel vm3, $0xFFFFFFFF, v6;
	v9 =	vnsel vm3, $0x0, v6;
	v6 =	vld.idx.msk [tilespmem:v5+s3+$0x0], vm4;
	v5 =	vadd.s32 s25, v2  }
0x9a: {  	s23 =	sadd.s32 $0xFFFFFFFF, s21;
	s24 =	simm.s32 $0x60;
	(xrf0) =	vmin.scan.msk.u32 $0xffff, v8  }
0x9b: {  	p5 =	por $0x1, $0x1;
	s21 =	simm.s32 $0x7FFFFFFF;
	s22 =	simm.s32 $0x80000000;
	vm3 =	vmmov vm2;
	vm2 =	vmmov vm5;
	(xrf0) =	vmax.scan.msk.u32 $0xffff, v9  }
.LBB2_14:
0x9c: {  	s25 =	smov.u32 s22;
	s26 =	smov.u32 s21  }
0x9d: {  	s21 =	sadd.s32 s24, s16;
	v7 =	vor.u32 s24, v2;
	p6 =	sne.s32 s23, $0x1  }
.Ltmp9:
0x9e: {  	s23 =	sadd.s32 $0xFFFFFFFF, s23;
	v8 =	vxor.u32 $0x80000000, v6;
	v6 =	vld.idx.msk [tilespmem:v5+s3+$0x0], vm5;
	vm5 =	vlt.s32 v7, v4;
	s22 =	spop (v2sf);
	(pc) =	sbr.rel @p6 .LBB2_14-.Ltmp9, $4  }
0x9f: {  	v9 =	vnsel vm3, $0xFFFFFFFF, v8;
	v5 =	vadd.s32 s21, v2;
	s28 =	spop (v2sf)  }
0xa0: {  	v8 =	vnsel vm3, $0x0, v8;
	vm3 =	vmmov vm2;
	s21 =	sxor.u32 $0x80000000, s22;
	vm2 =	vmmov vm5;
	(xrf0) =	vmin.scan.msk.u32 $0xffff, v9;
	v7, _, _ =	vpop (xrf0);
	s22 =	sxor.u32 $0x80000000, s28  }
0xa1: {  	p0 =	slt.s32 s26, s21;
	(xrf0) =	vmax.scan.msk.u32 $0xffff, v8;
	(v2sf) =	vpush v7, $0xF;
	v7, _, _ =	vpop (xrf0);
	p3 =	sgt.s32 s25, s22  }
0xa2: {  	s24 =	sadd.s32 $0x10, s24;
	s21 =	smov.u32 @p0 s26;
	(v2sf) =	vpush v7, $0xF;
	s22 =	smov.u32 @p3 s25  }
0xa3: {  	vm4 =	vmmov vm5  }
.LBB2_16:
0xa4: {  	_ =	sdelay $0x4  }
0xa5: {  	v5 =	vld.idx.msk [tilespmem:v5+s3+$0x0], vm4;
	v6 =	vxor.u32 @p1 $0x80000000, v6  }
0xa6: {  	v7 =	vnsel @p1 vm3, $0xFFFFFFFF, v6  }
0xa7: {  	v6 =	vnsel @p1 vm3, $0x0, v6  }
0xa8: {  	(xrf0) =	vmin.scan.msk.u32 @p1 $0xffff, v7  }
0xa9: {  	s23 =	spop @p5 (v2sf);
	v7, _, _ =	vpop @p2 (xrf0)  }
0xaa: {  	vm2 =	vmmov vm2;
	s24 =	spop @p5 (v2sf);
	s23 =	sxor.u32 @p5 $0x80000000, s23;
	(xrf0) =	vmax.scan.msk.u32 @p1 $0xffff, v6;
	(v2sf) =	vpush @p2 v7, $0xF;
	v6, _, _ =	vpop @p2 (xrf0);
	v5 =	vxor.u32 $0x80000000, v5  }
0xab: {  	s24 =	sxor.u32 @p5 $0x80000000, s24;
	p0 =	slt.s32 @p5 s21, s23;
	(v2sf) =	vpush @p2 v6, $0xF;
	v6 =	vnsel vm2, $0xFFFFFFFF, v5  }
0xac: {  	p3 =	sgt.s32 @p5 s22, s24;
	p0 =	por !p0, !p5  }
0xad: {  	s21 =	smov.u32 @p0 s23;
	p0 =	por !p3, !p5;
	v5 =	vnsel vm2, $0x0, v5;
	(xrf0) =	vmin.scan.msk.u32 $0xffff, v6  }
0xae: {  	s29 =	sld [smem:$0x7FC];
	s23 =	simm.s32 $0x7FFFFFFF;
	s22 =	smov.u32 @p0 s24;
	v6, _, _ =	vpop @p1 (xrf0);
	(xrf0) =	vmax.scan.msk.u32 $0xffff, v5  }
0xaf: {  	s24 =	spop @p4 (v2sf);
	s23 =	smov.u32 @p5 s21;
	s21 =	simm.s32 $0x80000000  }
0xb0: {  	s25 =	spop @p4 (v2sf);
	s21 =	smov.u32 @p5 s22;
	s22 =	sxor.u32 @p4 $0x80000000, s24;
	(v2sf) =	vpush @p1 v6, $0xF;
	v5, _, _ =	vpop @p1 (xrf0)  }
0xb1: {  	s24 =	sxor.u32 @p4 $0x80000000, s25;
	p0 =	slt.s32 @p4 s23, s22;
	(v2sf) =	vpush @p1 v5, $0xF  }
0xb2: {  	p5 =	seq.s32 s29, $0x1;
	p3 =	sgt.s32 @p4 s21, s24;
	p0 =	por !p0, !p4  }
0xb3: {  	p3 =	por !p3, !p4;
	s23 =	smov.u32 @p0 s22;
	s22 =	simm.s32 $0x7FFFFFFF;
	v5, _, _ =	vpop (xrf0)  }
0xb4: {  	s21 =	smov.u32 @p3 s24;
	s22 =	smov.u32 @p4 s23;
	s23 =	spop @p5 (v2sf);
	(v2sf) =	vpush v5, $0xF;
	v5, _, _ =	vpop (xrf0)  }
0xb5: {  	s24 =	simm.s32 $0x80000000;
	s25 =	spop @p5 (v2sf);
	s23 =	sxor.u32 @p5 $0x80000000, s23;
	(v2sf) =	vpush v5, $0xF  }
0xb6: {  	s24 =	smov.u32 @p4 s21;
	s21 =	sxor.u32 @p5 $0x80000000, s25;
	p0 =	slt.s32 @p5 s22, s23  }
0xb7: {  	p3 =	sgt.s32 @p5 s24, s21;
	p0 =	por !p0, !p5  }
0xb8: {  	s22 =	smov.u32 @p0 s23;
	p0 =	por !p3, !p5  }
0xb9: {  	s24 =	smov.u32 @p0 s21;
	s21 =	simm.s32 $0x7FFFFFFF  }
0xba: {  	s21 =	smov.u32 @p5 s22;
	s23 =	spop @p2 (v2sf)  }
0xbb: {  	s22 =	simm.s32 $0x80000000;
	s25 =	spop @p2 (v2sf);
	s23 =	sxor.u32 @p2 $0x80000000, s23  }
0xbc: {  	s22 =	smov.u32 @p5 s24;
	s24 =	sxor.u32 @p2 $0x80000000, s25;
	p0 =	slt.s32 @p2 s21, s23  }
0xbd: {  	p3 =	sgt.s32 @p2 s22, s24;
	p0 =	por !p0, !p2  }
0xbe: {  	p3 =	por !p3, !p2;
	s21 =	smov.u32 @p0 s23;
	s23 =	simm.s32 $0x7FFFFFFF  }
0xbf: {  	s22 =	smov.u32 @p3 s24;
	s23 =	smov.u32 @p2 s21;
	s21 =	spop @p1 (v2sf)  }
0xc0: {  	s24 =	simm.s32 $0x80000000;
	s25 =	spop @p1 (v2sf);
	s21 =	sxor.u32 @p1 $0x80000000, s21  }
0xc1: {  	s24 =	smov.u32 @p2 s22;
	s22 =	sxor.u32 @p1 $0x80000000, s25;
	p0 =	slt.s32 @p1 s23, s21  }
0xc2: {  	p2 =	sgt.s32 @p1 s24, s22;
	p0 =	por !p0, !p1  }
0xc3: {  	s23 =	smov.u32 @p0 s21;
	p0 =	por !p2, !p1;
	s30 =	spop (v2sf)  }
0xc4: {  	s24 =	smov.u32 @p0 s22;
	s19 =	smov.u32 @p1 s23;
	s31 =	spop (v2sf)  }
0xc5: {  	s23 =	sxor.u32 $0x80000000, s30;
	s20 =	smov.u32 @p1 s24;
	s21 =	sxor.u32 $0x80000000, s31  }
0xc6: {  	p0 =	slt.s32 s19, s23;
	p1 =	sgt.s32 s20, s21  }
0xc7: {  	s23 =	smov.u32 @p0 s19;
	s21 =	smov.u32 @p1 s20  }
0xc8: {  	p1 =	sge.s32 s23, s21  }
.Ltmp10:
0xc9: {  	_ = 	snop;
	(pc) =	sbr.rel @p1 .LBB2_32-.Ltmp10, $3  }
0xca: {  	_ =	sdelay $0x1  }
0xcb: {  	p0 =	slt.s32 s23, s21;
	s19 =	smov.u32 s21  }
0xcc: {  	s19 =	smov.u32 @p0 s23  }
.LBB2_17:
0xcd: {  	s31 =	sld [smem:$0x7FD];
	_ =	sdelay $0x2  }
0xce: {  	p0 =	seq.s32 s31, $0x1  }
.Ltmp11:
0xcf: {  	_ = 	snop;
	(pc) =	sbr.rel @!p0 .LBB2_18-.Ltmp11, $4  }
0xd0: {  	s20 =	sxor.u32 s21, s19;
	s23 =	sand.u32 s21, s19;
	s22 =	simm.s32 $0x0  }
0xd1: {  	s24 =	sadd.s32 $0x0, s16;
	p1 =	por $0x0, $0x0;
	s20 =	sshra.s32 s20, $0x1;
	v5 =	vor.u32 s22, v2  }
0xd2: {  	p2 =	por $0x0, $0x0;
	p3 =	por $0x0, $0x0;
	s20 =	sadd.s32 s20, s23;
	vm4 =	vlt.s32 v5, v4  }
0xd3: {  	p4 =	por $0x0, $0x0;
	p5 =	por $0x0, $0x0;
	v6 =	vadd.s32 s24, v2;
	s23 =	simm.s32 $0x10;
	v5 =	vmov s20;
	vm2 =	vmmov vm4  }
0xd4: {  	p0 =	sne.s32 s17, $0x1  }
.Ltmp12:
0xd5: {  	_ = 	snop;
	(pc) =	sbr.rel @!p0 .LBB2_20-.Ltmp12, $4  }
0xd6: {  	_ = 	snop  }
0xd7: {  	v7 =	vor.u32 s23, v2  }
0xd8: {  	s24 =	sadd.s32 $0x10, s16;
	vm5 =	vlt.s32 v7, v4  }
0xd9: {  	vm3 =	vmmov vm2;
	s23 =	sadd.s32 $0xFFFFFFFF, s17;
	p1 =	por $0x1, $0x1;
	v7 =	vld.idx.msk [tilespmem:v6+s3+$0x0], vm4;
	v6 =	vadd.s32 s24, v2;
	s24 =	simm.s32 $0x20;
	vm2 =	vmmov vm5  }
0xda: {  	_ =	sdelay $0x1  }
0xdb: {  	p0 =	sne.s32 s23, $0x1  }
.Ltmp13:
0xdc: {  	_ = 	snop;
	(pc) =	sbr.rel @!p0 .LBB2_22-.Ltmp13, $4  }
0xdd: {  	vm4 =	vle.s32 v7, v5  }
0xde: {  	v7 =	vor.u32 s24, v2;
	vm6 =	vmand vm3, vm4  }
0xdf: {  	s31 =	sadd.s32 $0x20, s16;
	vm4 =	vlt.s32 v7, v4;
	v8 =	vsel vm6, $0x1, v3  }
0xe0: {  	s23 =	sadd.s32 $0xFFFFFFFF, s23;
	p2 =	por $0x1, $0x1;
	s24 =	simm.s32 $0x30;
	v7 =	vld.idx.msk [tilespmem:v6+s3+$0x0], vm5;
	vm3 =	vmmov vm2;
	v6 =	vadd.s32 s31, v2;
	vm2 =	vmmov vm4;
	(xrf0) =	vadd.scan.msk.s32 $0xffff, v8  }
0xe1: {  	_ =	sdelay $0x4  }
0xe2: {  	v8, _, _ =	vpop (xrf0)  }
0xe3: {  	(v2sf) =	vpush v8, $0xF;
	_ =	sdelay $0x6  }
0xe4: {  	p0 =	sne.s32 s23, $0x1  }
.Ltmp14:
0xe5: {  	_ = 	snop;
	(pc) =	sbr.rel @!p0 .LBB2_24-.Ltmp14, $4  }
0xe6: {  	vm5 =	vle.s32 v7, v5  }
0xe7: {  	v7 =	vor.u32 s24, v2;
	vm6 =	vmand vm3, vm5  }
0xe8: {  	s31 =	sadd.s32 $0x30, s16;
	vm5 =	vlt.s32 v7, v4;
	v7 =	vld.idx.msk [tilespmem:v6+s3+$0x0], vm4;
	v6 =	vsel vm6, $0x1, v3  }
0xe9: {  	s23 =	sadd.s32 $0xFFFFFFFF, s23;
	p3 =	por $0x1, $0x1;
	s24 =	simm.s32 $0x40;
	vm3 =	vmmov vm2;
	vm2 =	vmmov vm5;
	(xrf0) =	vadd.scan.msk.s32 $0xffff, v6;
	v6 =	vadd.s32 s31, v2  }
0xea: {  	_ =	sdelay $0x4  }
0xeb: {  	v8, _, _ =	vpop (xrf0)  }
0xec: {  	(v2sf) =	vpush v8, $0xF;
	_ =	sdelay $0x3  }
0xed: {  	p0 =	sne.s32 s23, $0x1  }
.Ltmp15:
0xee: {  	_ = 	snop;
	(pc) =	sbr.rel @!p0 .LBB2_26-.Ltmp15, $4  }
0xef: {  	vm4 =	vle.s32 v7, v5  }
0xf0: {  	v7 =	vor.u32 s24, v2;
	vm6 =	vmand vm3, vm4  }
0xf1: {  	s31 =	sadd.s32 $0x40, s16;
	vm4 =	vlt.s32 v7, v4;
	v7 =	vld.idx.msk [tilespmem:v6+s3+$0x0], vm5;
	v6 =	vsel vm6, $0x1, v3  }
0xf2: {  	s23 =	sadd.s32 $0xFFFFFFFF, s23;
	p4 =	por $0x1, $0x1;
	s24 =	simm.s32 $0x50;
	vm3 =	vmmov vm2;
	vm2 =	vmmov vm4;
	(xrf0) =	vadd.scan.msk.s32 $0xffff, v6;
	v6 =	vadd.s32 s31, v2  }
0xf3: {  	_ =	sdelay $0x4  }
0xf4: {  	v8, _, _ =	vpop (xrf0)  }
0xf5: {  	(v2sf) =	vpush v8, $0xF;
	_ =	sdelay $0x2  }
0xf6: {  	vm5 =	vle.s32 v7, v5  }
0xf7: {  	p6 =	sne.s32 s23, $0x1;
	v7 =	vor.u32 s24, v2;
	vm6 =	vmand vm3, vm5  }
.Ltmp16:
0xf8: {  	s31 =	sadd.s32 $0x50, s16;
	vm5 =	vlt.s32 v7, v4;
	v7 =	vld.idx.msk [tilespmem:v6+s3+$0x0], vm4;
	v6 =	vsel vm6, $0x1, v3;
	(pc) =	sbr.rel @!p6 .LBB2_28-.Ltmp16, $3  }
0xf9: {  	(xrf0) =	vadd.scan.msk.s32 $0xffff, v6;
	v6 =	vadd.s32 s31, v2;
	_ =	sdelay $0x1  }
0xfa: {  	s25 =	simm.s32 $0x60  }
0xfb: {  	p5 =	por $0x1, $0x1;
	s24 =	sadd.s32 $0xFFFFFFFF, s23;
	s23 =	simm.s32 $0x0;
	vm3 =	vmmov vm2;
	vm2 =	vmmov vm5  }
.LBB2_29:
0xfc: {  	v8 =	vor.u32 s25, v2;
	p6 =	sne.s32 s24, $0x1;
	s24 =	sadd.s32 $0xFFFFFFFF, s24  }
.Ltmp17:
0xfd: {  	s26 =	sadd.s32 s25, s16;
	vm4 =	vle.s32 v7, v5;
	v7 =	vld.idx.msk [tilespmem:v6+s3+$0x0], vm5;
	vm5 =	vlt.s32 v8, v4;
	(pc) =	sbr.rel @p6 .LBB2_29-.Ltmp17, $4  }
0xfe: {  	v6 =	vadd.s32 s26, v2;
	vm4 =	vmand vm3, vm4;
	vm3 =	vmmov vm2;
	s26 =	spop (v2sf)  }
0xff: {  	v9 =	vsel vm4, $0x1, v3;
	vm2 =	vmmov vm5;
	s23 =	sadd.s32 s23, s26  }
0x100: {  	(xrf0) =	vadd.scan.msk.s32 $0xffff, v9;
	v8, _, _ =	vpop (xrf0)  }
0x101: {  	s25 =	sadd.s32 $0x10, s25;
	(v2sf) =	vpush v8, $0xF  }
0x102: {  	vm4 =	vmmov vm5  }
.LBB2_31:
0x103: {  	_ =	sdelay $0x4  }
0x104: {  	v6 =	vld.idx.msk [tilespmem:v6+s3+$0x0], vm4;
	_ =	sdelay $0x2  }
0x105: {  	vm4 =	vle.s32 @p1 v7, v5  }
0x106: {  	vm3 =	vmand @p1 vm3, vm4  }
0x107: {  	vm2 =	vmmov vm2;
	v7 =	vsel @p1 vm3, $0x1, v3;
	vm3 =	vle.s32 v6, v5  }
0x108: {  	(xrf0) =	vadd.scan.msk.s32 @p1 $0xffff, v7;
	vm2 =	vmand vm2, vm3  }
0x109: {  	v5 =	vsel vm2, $0x1, v3  }
0x10a: {  	(xrf0) =	vadd.scan.msk.s32 $0xffff, v5;
	_ =	sdelay $0x1  }
0x10b: {  	v5, _, _ =	vpop @p2 (xrf0)  }
0x10c: {  	(v2sf) =	vpush @p2 v5, $0xF  }
0x10d: {  	v5, _, _ =	vpop @p1 (xrf0)  }
0x10e: {  	(v2sf) =	vpush @p1 v5, $0xF  }
0x10f: {  	v5, _, _ =	vpop (xrf0)  }
0x110: {  	(v2sf) =	vpush v5, $0xF;
	_ =	sdelay $0x4  }
0x111: {  	s24 =	spop @p5 (v2sf)  }
0x112: {  	s23 =	sadd.s32 @p5 s23, s24;
	s24 =	simm.s32 $0x0  }
0x113: {  	s24 =	smov.u32 @p5 s23;
	s23 =	spop @p4 (v2sf)  }
0x114: {  	s23 =	sadd.s32 @p4 s24, s23;
	s24 =	simm.s32 $0x0  }
0x115: {  	s24 =	smov.u32 @p4 s23;
	s23 =	spop @p3 (v2sf)  }
0x116: {  	s23 =	sadd.s32 @p3 s24, s23;
	s24 =	simm.s32 $0x0  }
0x117: {  	s24 =	smov.u32 @p3 s23;
	s23 =	spop @p2 (v2sf)  }
0x118: {  	s23 =	sadd.s32 @p2 s24, s23;
	s24 =	simm.s32 $0x0  }
0x119: {  	s24 =	smov.u32 @p2 s23;
	s23 =	spop @p1 (v2sf)  }
0x11a: {  	s23 =	sadd.s32 @p1 s24, s23  }
0x11b: {  	s22 =	smov.u32 @p1 s23;
	s31 =	spop (v2sf)  }
0x11c: {  	s22 =	sadd.s32 s22, s31  }
0x11d: {  	p0 =	slt.s32 s22, s18;
	s22 =	sadd.s32 $0x1, s20  }
0x11e: {  	s19 =	smov.u32 @p0 s22;
	s20 =	smov.u32 @p0 s21  }
0x11f: {  	p0 =	slt.s32 s19, s20  }
.Ltmp18:
0x120: {  	_ = 	snop;
	(pc) =	sbr.rel @p0 .LBB2_17-.Ltmp18, $4  }
.Ltmp19:
0x121: {  	_ = 	snop;
	(pc) =	sbr.rel @!p0 .LBB2_32-.Ltmp19, $4  }
0x122: {  	_ = 	snop  }
0x123: {  	_ = 	snop  }
0x124: {  	s21 =	smov.u32 s20  }
0x125: {  	_ = 	snop  }
.LBB2_18:
.Ltmp20:
0x126: {  	(pc) =	sbr.rel .LBB2_31-.Ltmp20, $2  }
0x127: {  	_ =	sdelay $0x2  }
0x128: {  	s23 =	simm.s32 $0x0  }
.LBB2_20:
.Ltmp21:
0x129: {  	(pc) =	sbr.rel .LBB2_31-.Ltmp21, $2  }
0x12a: {  	_ =	sdelay $0x2  }
0x12b: {  	vm4 =	vmmov vm5;
	s23 =	simm.s32 $0x0  }
.LBB2_22:
.Ltmp22:
0x12c: {  	(pc) =	sbr.rel .LBB2_31-.Ltmp22, $2  }
0x12d: {  	_ =	sdelay $0x2  }
0x12e: {  	s23 =	simm.s32 $0x0  }
.LBB2_24:
.Ltmp23:
0x12f: {  	(pc) =	sbr.rel .LBB2_31-.Ltmp23, $2  }
0x130: {  	_ =	sdelay $0x2  }
0x131: {  	vm4 =	vmmov vm5;
	s23 =	simm.s32 $0x0  }
.LBB2_26:
.Ltmp24:
0x132: {  	(pc) =	sbr.rel .LBB2_31-.Ltmp24, $2  }
0x133: {  	_ =	sdelay $0x3  }
0x134: {  	s23 =	simm.s32 $0x0  }
.LBB2_28:
.Ltmp25:
0x135: {  	(pc) =	sbr.rel .LBB2_31-.Ltmp25, $2  }
0x136: {  	_ =	sdelay $0x2  }
0x137: {  	vm4 =	vmmov vm5;
	s23 =	simm.s32 $0x0  }
.LBB2_32:
0x138: {  	s31 =	sld [smem:$0x7FD];
	_ =	sdelay $0x2  }
0x139: {  	p0 =	seq.s32 s31, $0x1  }
.Ltmp26:
0x13a: {  	_ = 	snop;
	(pc) =	sbr.rel @!p0 .LBB2_33-.Ltmp26, $4  }
0x13b: {  	s20 =	simm.s32 $0x0  }
0x13c: {  	s23 =	sadd.s32 $0xFFFFFFFF, s19;
	v5 =	vor.u32 s20, v2  }
0x13d: {  	s22 =	sadd.s32 $0x0, s16;
	s21 =	simm.s32 $0x10;
	p2 =	por $0x0, $0x0;
	vm4 =	vlt.s32 v5, v4  }
0x13e: {  	p3 =	por $0x0, $0x0;
	p4 =	por $0x0, $0x0;
	p5 =	por $0x0, $0x0;
	v6 =	vmov s23;
	v7 =	vadd.s32 s22, v2;
	vm2 =	vmmov vm4  }
0x13f: {  	p0 =	sne.s32 s17, $0x1  }
.Ltmp27:
0x140: {  	_ = 	snop;
	(pc) =	sbr.rel @!p0 .LBB2_35-.Ltmp27, $4  }
0x141: {  	_ = 	snop  }
0x142: {  	v8 =	vor.u32 s21, v2  }
0x143: {  	s24 =	sadd.s32 $0x10, s16;
	vm5 =	vlt.s32 v8, v4  }
0x144: {  	vm3 =	vmmov vm2;
	s23 =	sadd.s32 $0xFFFFFFFF, s17;
	p2 =	por $0x1, $0x1;
	v8 =	vld.idx.msk [tilespmem:v7+s3+$0x0], vm4;
	v7 =	vadd.s32 s24, v2;
	s24 =	simm.s32 $0x20;
	vm2 =	vmmov vm5  }
0x145: {  	_ =	sdelay $0x1  }
0x146: {  	p0 =	sne.s32 s23, $0x1  }
.Ltmp28:
0x147: {  	_ = 	snop;
	(pc) =	sbr.rel @!p0 .LBB2_37-.Ltmp28, $4  }
0x148: {  	vm4 =	vle.s32 v8, v6  }
0x149: {  	v8 =	vor.u32 s24, v2;
	vm6 =	vmand vm3, vm4  }
0x14a: {  	s31 =	sadd.s32 $0x20, s16;
	vm4 =	vlt.s32 v8, v4;
	v9 =	vsel vm6, $0x1, v3  }
0x14b: {  	s23 =	sadd.s32 $0xFFFFFFFF, s23;
	p3 =	por $0x1, $0x1;
	s24 =	simm.s32 $0x30;
	v8 =	vld.idx.msk [tilespmem:v7+s3+$0x0], vm5;
	vm3 =	vmmov vm2;
	v7 =	vadd.s32 s31, v2;
	vm2 =	vmmov vm4;
	(xrf0) =	vadd.scan.msk.s32 $0xffff, v9  }
0x14c: {  	_ =	sdelay $0x4  }
0x14d: {  	v9, _, _ =	vpop (xrf0)  }
0x14e: {  	(v2sf) =	vpush v9, $0xF;
	_ =	sdelay $0x6  }
0x14f: {  	p0 =	sne.s32 s23, $0x1  }
.Ltmp29:
0x150: {  	_ = 	snop;
	(pc) =	sbr.rel @!p0 .LBB2_39-.Ltmp29, $4  }
0x151: {  	vm5 =	vle.s32 v8, v6  }
0x152: {  	v8 =	vor.u32 s24, v2;
	vm6 =	vmand vm3, vm5  }
0x153: {  	s31 =	sadd.s32 $0x30, s16;
	vm5 =	vlt.s32 v8, v4;
	v8 =	vld.idx.msk [tilespmem:v7+s3+$0x0], vm4;
	v7 =	vsel vm6, $0x1, v3  }
0x154: {  	s23 =	sadd.s32 $0xFFFFFFFF, s23;
	p4 =	por $0x1, $0x1;
	s24 =	simm.s32 $0x40;
	vm3 =	vmmov vm2;
	vm2 =	vmmov vm5;
	(xrf0) =	vadd.scan.msk.s32 $0xffff, v7;
	v7 =	vadd.s32 s31, v2  }
0x155: {  	_ =	sdelay $0x4  }
0x156: {  	v9, _, _ =	vpop (xrf0)  }
0x157: {  	(v2sf) =	vpush v9, $0xF;
	_ =	sdelay $0x3  }
0x158: {  	p0 =	sne.s32 s23, $0x1  }
.Ltmp30:
0x159: {  	_ = 	snop;
	(pc) =	sbr.rel @!p0 .LBB2_41-.Ltmp30, $4  }
0x15a: {  	vm4 =	vle.s32 v8, v6  }
0x15b: {  	v8 =	vor.u32 s24, v2;
	vm6 =	vmand vm3, vm4  }
0x15c: {  	s31 =	sadd.s32 $0x40, s16;
	vm4 =	vlt.s32 v8, v4;
	v8 =	vld.idx.msk [tilespmem:v7+s3+$0x0], vm5;
	v7 =	vsel vm6, $0x1, v3  }
0x15d: {  	s23 =	sadd.s32 $0xFFFFFFFF, s23;
	p5 =	por $0x1, $0x1;
	s24 =	simm.s32 $0x50;
	vm3 =	vmmov vm2;
	vm2 =	vmmov vm4;
	(xrf0) =	vadd.scan.msk.s32 $0xffff, v7;
	v7 =	vadd.s32 s31, v2  }
0x15e: {  	_ =	sdelay $0x4  }
0x15f: {  	v9, _, _ =	vpop (xrf0)  }
0x160: {  	(v2sf) =	vpush v9, $0xF;
	_ =	sdelay $0x2  }
0x161: {  	vm5 =	vle.s32 v8, v6  }
0x162: {  	p1 =	sne.s32 s23, $0x1;
	v8 =	vor.u32 s24, v2;
	vm6 =	vmand vm3, vm5  }
.Ltmp31:
0x163: {  	s31 =	sadd.s32 $0x50, s16;
	vm5 =	vlt.s32 v8, v4;
	v8 =	vld.idx.msk [tilespmem:v7+s3+$0x0], vm4;
	v7 =	vsel vm6, $0x1, v3;
	(pc) =	sbr.rel @!p1 .LBB2_43-.Ltmp31, $3  }
0x164: {  	(xrf0) =	vadd.scan.msk.s32 $0xffff, v7;
	v7 =	vadd.s32 s31, v2;
	_ =	sdelay $0x1  }
0x165: {  	s25 =	simm.s32 $0x60  }
0x166: {  	p6 =	por $0x1, $0x1;
	s24 =	sadd.s32 $0xFFFFFFFF, s23;
	s23 =	simm.s32 $0x0;
	vm3 =	vmmov vm2;
	vm2 =	vmmov vm5  }
.LBB2_44:
0x167: {  	v9 =	vor.u32 s25, v2;
	p1 =	sne.s32 s24, $0x1;
	s24 =	sadd.s32 $0xFFFFFFFF, s24  }
.Ltmp32:
0x168: {  	s26 =	sadd.s32 s25, s16;
	vm4 =	vle.s32 v8, v6;
	v8 =	vld.idx.msk [tilespmem:v7+s3+$0x0], vm5;
	vm5 =	vlt.s32 v9, v4;
	(pc) =	sbr.rel @p1 .LBB2_44-.Ltmp32, $4  }
0x169: {  	v7 =	vadd.s32 s26, v2;
	vm4 =	vmand vm3, vm4;
	vm3 =	vmmov vm2;
	s26 =	spop (v2sf)  }
0x16a: {  	v10 =	vsel vm4, $0x1, v3;
	vm2 =	vmmov vm5;
	s23 =	sadd.s32 s23, s26  }
0x16b: {  	(xrf0) =	vadd.scan.msk.s32 $0xffff, v10;
	v9, _, _ =	vpop (xrf0)  }
0x16c: {  	s25 =	sadd.s32 $0x10, s25;
	(v2sf) =	vpush v9, $0xF  }
0x16d: {  	vm4 =	vmmov vm5  }
.LBB2_46:
0x16e: {  	_ =	sdelay $0x4  }
0x16f: {  	v7 =	vld.idx.msk [tilespmem:v7+s3+$0x0], vm4;
	_ =	sdelay $0x2  }
0x170: {  	vm4 =	vle.s32 @p2 v8, v6  }
0x171: {  	vm3 =	vmand @p2 vm3, vm4  }
0x172: {  	vm2 =	vmmov vm2;
	v8 =	vsel @p2 vm3, $0x1, v3;
	vm3 =	vle.s32 v7, v6  }
0x173: {  	(xrf0) =	vadd.scan.msk.s32 @p2 $0xffff, v8;
	vm2 =	vmand vm2, vm3  }
0x174: {  	v6 =	vsel vm2, $0x1, v3  }
0x175: {  	(xrf0) =	vadd.scan.msk.s32 $0xffff, v6;
	_ =	sdelay $0x1  }
0x176: {  	v6, _, _ =	vpop @p3 (xrf0)  }
0x177: {  	(v2sf) =	vpush @p3 v6, $0xF  }
0x178: {  	v6, _, _ =	vpop @p2 (xrf0)  }
0x179: {  	(v2sf) =	vpush @p2 v6, $0xF  }
0x17a: {  	v6, _, _ =	vpop (xrf0)  }
0x17b: {  	(v2sf) =	vpush v6, $0xF;
	_ =	sdelay $0x4  }
0x17c: {  	s24 =	spop @p6 (v2sf)  }
0x17d: {  	s23 =	sadd.s32 @p6 s23, s24;
	s24 =	simm.s32 $0x0  }
0x17e: {  	s24 =	smov.u32 @p6 s23;
	s23 =	spop @p5 (v2sf)  }
0x17f: {  	s23 =	sadd.s32 @p5 s24, s23;
	s24 =	simm.s32 $0x0  }
0x180: {  	s24 =	smov.u32 @p5 s23;
	s23 =	spop @p4 (v2sf)  }
0x181: {  	s31 =	sld [smem:$0x7FD];
	s23 =	sadd.s32 @p4 s24, s23;
	s24 =	simm.s32 $0x0  }
0x182: {  	s24 =	smov.u32 @p4 s23;
	s23 =	spop @p3 (v2sf)  }
0x183: {  	s23 =	sadd.s32 @p3 s24, s23;
	s24 =	simm.s32 $0x0  }
0x184: {  	p0 =	seq.s32 s31, $0x1;
	s24 =	smov.u32 @p3 s23;
	s23 =	spop @p2 (v2sf)  }
.Ltmp33:
0x185: {  	s23 =	sadd.s32 @p2 s24, s23;
	s24 =	simm.s32 $0x0;
	(pc) =	sbr.rel @!p0 .LBB2_47-.Ltmp33, $4  }
0x186: {  	s24 =	smov.u32 @p2 s23;
	s30 =	spop (v2sf)  }
0x187: {  	s23 =	sadd.s32 s24, s30  }
0x188: {  	s18 =	ssub.s32 s18, s23  }
0x189: {  	v7 =	vmov s19;
	v6 =	vmov s18;
	s18 =	simm.s32 $0xFFFFFFFF  }
0x18a: {  	vm2 =	vlt.s32 v5, v4  }
0x18b: {  	v5 =	vadd.s32 s22, v2;
	_ =	sdelay $0x4  }
0x18c: {  	v8 =	vld.idx.msk [tilespmem:v5+s3+$0x0], vm2;
	_ =	sdelay $0x4  }
0x18d: {  	vm3 =	veq.s32 v8, v7  }
0x18e: {  	vm2 =	vmand vm2, vm3  }
0x18f: {  	v8 =	vsel vm2, $0x1, v3  }
0x190: {  	(xrf0) =	vadd.scan.msk.s32 $0xffff, v8  }
0x191: {  	p1 =	sne.s32 s17, $0x1  }
.Ltmp34:
0x192: {  	_ = 	snop;
	(pc) =	sbr.rel @!p1 .LBB2_49-.Ltmp34, $2  }
0x193: {  	_ =	sdelay $0x2  }
0x194: {  	s17 =	sadd.s32 $0xFFFFFFFF, s17;
	p0 =	por $0x1, $0x1;
	p3 =	por $0x0, $0x0;
	v8, _, _ =	vpop (xrf0)  }
0x195: {  	v8 =	vadd.s32 s20, v8  }
0x196: {  	v9 =	vxor.u32 $0x80000000, v8  }
0x197: {  	(xrf0) =	vmax.scan.msk.u32 $0xffff, v9;
	_ =	sdelay $0x2  }
0x198: {  	v9 =	vor.u32 s21, v2;
	_ =	sdelay $0x1  }
0x199: {  	s22 =	sadd.s32 $0x10, s16;
	vm3 =	vlt.s32 v9, v4  }
0x19a: {  	v10 =	vxor.u32 $0x80000000, v5;
	v5 =	vadd.s32 s22, v2;
	v9, _, _ =	vpop (xrf0)  }
0x19b: {  	(v2sf) =	vpush v9, $0xF;
	_ =	sdelay $0x3  }
0x19c: {  	v9 =	vld.idx.msk [tilespmem:v5+s3+$0x0], vm3  }
0x19d: {  	vm4 =	veq.s32 v8, v6  }
0x19e: {  	vm2 =	vmand vm2, vm4  }
0x19f: {  	v8 =	vnsel vm2, $0x7FFFFFFF, v10  }
0x1a0: {  	(xrf0) =	vmax.scan.msk.u32 $0xffff, v8  }
0x1a1: {  	vm15 =	veq.s32 v9, v7  }
0x1a2: {  	vm2 =	vmand vm3, vm15  }
0x1a3: {  	v8 =	vsel vm2, $0x1, v3;
	_ =	sdelay $0x2  }
0x1a4: {  	(xrf0) =	vadd.scan.msk.s32 $0xffff, v8;
	v8, _, _ =	vpop (xrf0)  }
0x1a5: {  	s23 =	spop (v2sf);
	(v2sf) =	vpush v8, $0xF;
	_ =	sdelay $0x7  }
0x1a6: {  	p1 =	sne.s32 s17, $0x1  }
.Ltmp35:
0x1a7: {  	_ = 	snop;
	(pc) =	sbr.rel @!p1 .LBB2_51-.Ltmp35, $3  }
0x1a8: {  	_ =	sdelay $0x1  }
0x1a9: {  	p3 =	por $0x1, $0x1  }
0x1aa: {  	s22 =	sadd.s32 $0xFFFFFFFF, s17;
	s17 =	simm.s32 $0xFFFFFFFF;
	v8, _, _ =	vpop (xrf0);
	s23 =	sxor.u32 $0x80000000, s23  }
.LBB2_52:
0x1ab: {  	s24 =	smov.u32 s17  }
0x1ac: {  	p2 =	sne.s32 s22, $0x1;
	v8 =	vadd.s32 s23, v8;
	s17 =	spop (v2sf)  }
0x1ad: {  	vm3 =	veq.s32 v8, v6;
	v8 =	vxor.u32 $0x80000000, v8;
	s17 =	sxor.u32 $0x80000000, s17  }
0x1ae: {  	v5 =	vxor.u32 $0x80000000, v5;
	s21 =	sadd.s32 $0x10, s21;
	vm2 =	vmand vm2, vm3;
	(xrf0) =	vmax.scan.msk.u32 $0xffff, v8;
	p1 =	sgt.s32 s24, s17  }
0x1af: {  	v8 =	vor.u32 s21, v2;
	v5 =	vnsel vm2, $0x7FFFFFFF, v5;
	s17 =	smov.u32 @p1 s24  }
0x1b0: {  	s23 =	sadd.s32 s21, s16;
	vm2 =	vlt.s32 v8, v4;
	(xrf0) =	vmax.scan.msk.u32 $0xffff, v5  }
0x1b1: {  	v5 =	vadd.s32 s23, v2;
	_ =	sdelay $0x2  }
0x1b2: {  	v8, _, _ =	vpop (xrf0)  }
0x1b3: {  	(v2sf) =	vpush v8, $0xF  }
0x1b4: {  	v8 =	vld.idx.msk [tilespmem:v5+s3+$0x0], vm2;
	v9, _, _ =	vpop (xrf0)  }
0x1b5: {  	(v2sf) =	vpush v9, $0xF;
	_ =	sdelay $0x4  }
0x1b6: {  	vm3 =	veq.s32 v8, v7  }
0x1b7: {  	vm2 =	vmand vm2, vm3  }
0x1b8: {  	v8 =	vsel vm2, $0x1, v3  }
0x1b9: {  	(xrf0) =	vadd.scan.msk.s32 $0xffff, v8;
	_ =	sdelay $0x1  }
.Ltmp36:
0x1ba: {  	(pc) =	sbr.rel @p2 .LBB2_52-.Ltmp36, $3  }
0x1bb: {  	_ =	sdelay $0x1  }
0x1bc: {  	s23 =	spop (v2sf)  }
0x1bd: {  	s22 =	sadd.s32 $0xFFFFFFFF, s22;
	v8, _, _ =	vpop (xrf0);
	s23 =	sxor.u32 $0x80000000, s23  }
.LBB2_53:
0x1be: {  	v8 =	vadd.s32 @p0 s23, v8  }
0x1bf: {  	v9 =	vxor.u32 @p0 $0x80000000, v8  }
0x1c0: {  	(xrf0) =	vmax.scan.msk.u32 @p0 $0xffff, v9  }
0x1c1: {  	s21 =	sadd.s32 @p0 $0x10, s21;
	s22 =	simm.s32 $0x0  }
0x1c2: {  	s22 =	smov.u32 @p0 s21  }
0x1c3: {  	v60 =	vor.u32 s22, v2  }
0x1c4: {  	s16 =	sadd.s32 s22, s16;
	vm3 =	vlt.s32 v60, v4  }
0x1c5: {  	v4 =	vadd.s32 s16, v2  }
0x1c6: {  	v9, _, _ =	vpop @p0 (xrf0)  }
0x1c7: {  	(v2sf) =	vpush @p0 v9, $0xF;
	_ =	sdelay $0x2  }
0x1c8: {  	v61 =	vld.idx.msk [tilespmem:v4+s3+$0x0], vm3;
	_ =	sdelay $0x3  }
0x1c9: {  	vm4 =	veq.s32 @p0 v8, v6  }
0x1ca: {  	v5 =	vxor.u32 @p0 $0x80000000, v5;
	vm2 =	vmand @p0 vm2, vm4;
	vm15 =	veq.s32 v61, v7  }
0x1cb: {  	v5 =	vnsel @p0 vm2, $0x7FFFFFFF, v5;
	vm2 =	vmand vm3, vm15  }
0x1cc: {  	(xrf0) =	vmax.scan.msk.u32 @p0 $0xffff, v5;
	v5 =	vsel vm2, $0x1, v3  }
0x1cd: {  	(xrf0) =	vadd.scan.msk.s32 $0xffff, v5;
	_ =	sdelay $0x2  }
0x1ce: {  	s16 =	spop @p3 (v2sf)  }
0x1cf: {  	s21 =	spop @p0 (v2sf)  }
0x1d0: {  	v5, _, _ =	vpop @p0 (xrf0);
	s21 =	sxor.u32 @p0 $0x80000000, s21  }
0x1d1: {  	v62, _, _ =	vpop (xrf0);
	s20 =	smov.u32 @p0 s21  }
0x1d2: {  	v7 =	vadd.s32 s20, v62  }
0x1d3: {  	vm3 =	veq.s32 v7, v6  }
0x1d4: {  	v4 =	vxor.u32 $0x80000000, v4;
	v63 =	vxor.u32 $0x80000000, v7;
	vm2 =	vmand vm2, vm3  }
0x1d5: {  	(xrf0) =	vmax.scan.msk.u32 $0xffff, v63;
	v4 =	vnsel vm2, $0x7FFFFFFF, v4  }
0x1d6: {  	(xrf0) =	vmax.scan.msk.u32 $0xffff, v4;
	_ =	sdelay $0x2  }
0x1d7: {  	(v2sf) =	vpush @p0 v5, $0xF;
	_ =	sdelay $0x1  }
0x1d8: {  	v4, _, _ =	vpop (xrf0)  }
0x1d9: {  	(v2sf) =	vpush v4, $0xF;
	v4, _, _ =	vpop (xrf0)  }
0x1da: {  	(v2sf) =	vpush v4, $0xF;
	_ =	sdelay $0x7  }
0x1db: {  	s16 =	sxor.u32 @p3 $0x80000000, s16  }
0x1dc: {  	p1 =	sgt.s32 @p3 s17, s16  }
0x1dd: {  	p1 =	por !p1, !p3  }
0x1de: {  	s17 =	smov.u32 @p1 s16;
	s16 =	simm.s32 $0xFFFFFFFF;
	s20 =	spop @p0 (v2sf)  }
0x1df: {  	s16 =	smov.u32 @p3 s17;
	s17 =	sxor.u32 @p0 $0x80000000, s20  }
0x1e0: {  	p1 =	sgt.s32 @p0 s16, s17  }
0x1e1: {  	p1 =	por !p1, !p0;
	s30 =	spop (v2sf)  }
0x1e2: {  	s16 =	smov.u32 @p1 s17;
	s31 =	spop (v2sf)  }
0x1e3: {  	s18 =	smov.u32 @p0 s16;
	s20 =	sxor.u32 $0x80000000, s31  }
0x1e4: {  	p0 =	sgt.s32 s18, s20  }
0x1e5: {  	s20 =	smov.u32 @p0 s18  }
.LBB2_54:
0x1e6: {  	v4 =	vmov s19  }
0x1e7: {  	v4 =	vnsel vm0, $0x0, v4  }
0x1e8: {  	v4 =	vsel vm1, s20, v4  }
0x1e9: {  	[tilespmem:$0x2900] =	vst v4  }
0x1ea: {  	[hbm4b:s6+s3] =	stream.linear.scatter [tilespmem:s12], [sflag:$0x1], $0x80, $0x38;
	[tilespmem:$0x2980] =	vst v63  }
0x1eb: {  	_ =	swait.ge [sflag:s9], $0x80  }
0x1ec: {  	[sflag:s9] =	ssyncset.done $0x0  }
0x1ed: {  	[sflag:s9] =	ssyncadd.s32 $0xFFFFFF80  }
0x1ee: {  	v4 =	vld.idx.msk [tilespmem:v1+s10+$0x0], $0xffff;
	_ =	sdelay $0x4  }
0x1ef: {  	v4 =	vxor.u32 $0x80000000, v4  }
0x1f0: {  	(xrf0) =	vmax.scan.msk.u32 $0xffff, v4;
	_ =	sdelay $0x5  }
0x1f1: {  	v5, _, _ =	vpop (xrf0)  }
0x1f2: {  	v4 =	vld.idx.msk [tilespmem:v1+s11+$0x0], $0xffff;
	(v2sf) =	vpush v5, $0xF;
	_ =	sdelay $0x4  }
0x1f3: {  	v4 =	vxor.u32 $0x80000000, v4  }
0x1f4: {  	(xrf0) =	vmax.scan.msk.u32 $0xffff, v4;
	_ =	sdelay $0x5  }
0x1f5: {  	v4, _, _ =	vpop (xrf0)  }
0x1f6: {  	(v2sf) =	vpush v4, $0xF;
	_ =	sdelay $0x1  }
0x1f7: {  	s16 =	spop (v2sf)  }
0x1f8: {  	s17 =	sadd.s32 $0x8000000F, s16  }
0x1f9: {  	s18 =	sand.u32 $0xF, s17  }
0x1fa: {  	s30 =	sshra.s32 s17, $0x1F;
	p0 =	slt.s32 s17, $0x1;
	p1 =	sne.s32 s18, $0x0  }
0x1fb: {  	s31 =	sshrl.u32 s30, $0x1C;
	p0 =	por !p0, !p1  }
0x1fc: {  	s18 =	simm.s32 $0x1;
	s17 =	sadd.s32 s31, s17;
	p0 =	por !p0, !p0  }
0x1fd: {  	s17 =	sshra.s32 s17, $0x4;
	s18 =	simm.s32 @!p0 $0x0  }
0x1fe: {  	s19 =	ssub.s32 s17, s18  }
0x1ff: {  	p0 =	slt.s32 s19, $0x1  }
.Ltmp37:
0x200: {  	_ = 	snop;
	(pc) =	sbr.rel @p0 .LBB2_107-.Ltmp37, $2  }
0x201: {  	_ =	sdelay $0x2  }
0x202: {  	s17 =	spop (v2sf)  }
0x203: {  	s14 =	sadd.s32 $0x80000001, s16;
	p0 =	slt.s32 s16, $0xFFFFFFFF;
	s15 =	simm.s32 $0x1  }
0x204: {  	s15 =	simm.s32 @!p0 $0x0;
	s18 =	sshra.s32 s14, $0x1F  }
0x205: {  	s29 =	sand.u32 $0x1, s14;
	s15 =	sadd.s32 s15, s18  }
0x206: {  	s31 =	sxor.u32 $0x80000000, s16;
	p1 =	seq.s32 s29, $0x1;
	p6 =	sne.s32 s15, $0x1  }
0x207: {  	s20 =	simm.s32 $0x0;
	s16 =	sadd.s32 $0xFFFFFFFF, s19;
	p0 =	por !p6, !p1  }
0x208: {  	p2 =	por $0x0, $0x0;
	s18 =	simm.s32 $0x1;
	p0 =	por !p0, !p0  }
0x209: {  	s30 =	sshrl.u32 s14, $0x1F;
	s18 =	simm.s32 @!p0 $0x0;
	p0 =	sne.s32 s19, $0x1  }
.Ltmp38:
0x20a: {  	p4 =	por $0x0, $0x0;
	s14 =	sadd.s32 s30, s14;
	(pc) =	sbr.rel @!p0 .LBB2_56-.Ltmp38, $4  }
0x20b: {  	p5 =	por $0x0, $0x0;
	s14 =	sshra.s32 s14, $0x1;
	s15 =	sxor.u32 $0x80000000, s17  }
0x20c: {  	v4 =	vmov s31;
	v5 =	vor.u32 s20, v2;
	s21 =	sadd.s32 $0x0, s15;
	p1 =	por $0x0, $0x0;
	s20 =	simm.s32 @!p0 $0x0  }
0x20d: {  	vm4 =	vlt.s32 v5, v4;
	s19 =	simm.s32 $0x10;
	s17 =	ssub.s32 s14, s18;
	s20 =	simm.s32 @p0 $0x1  }
0x20e: {  	vm2 =	vmmov vm4;
	v5 =	vadd.s32 s21, v2;
	s14 =	simm.s32 $0x7FFFFFFF;
	s18 =	simm.s32 $0x80000000;
	[smem:$0x7FB] =	sst s20  }
0x20f: {  	p6 =	sne.s32 s16, $0x1  }
.Ltmp39:
0x210: {  	_ = 	snop;
	(pc) =	sbr.rel @!p6 .LBB2_58-.Ltmp39, $4  }
0x211: {  	_ = 	snop  }
0x212: {  	v6 =	vor.u32 s19, v2  }
0x213: {  	s20 =	sadd.s32 $0x10, s15;
	vm5 =	vlt.s32 v6, v4  }
0x214: {  	vm3 =	vmmov vm2;
	s19 =	sadd.s32 $0xFFFFFFFF, s16;
	p1 =	por $0x1, $0x1;
	v6 =	vld.idx.msk [tilespmem:v5+s3+$0x0], vm4;
	v5 =	vadd.s32 s20, v2;
	s20 =	simm.s32 $0x20;
	vm2 =	vmmov vm5  }
0x215: {  	_ =	sdelay $0x1  }
0x216: {  	p6 =	sne.s32 s19, $0x1  }
.Ltmp40:
0x217: {  	_ = 	snop;
	(pc) =	sbr.rel @!p6 .LBB2_60-.Ltmp40, $4  }
0x218: {  	v6 =	vxor.u32 $0x80000000, v6  }
0x219: {  	v7 =	vor.u32 s20, v2;
	v8 =	vnsel vm3, $0xFFFFFFFF, v6  }
0x21a: {  	s31 =	sadd.s32 $0x20, s15;
	vm4 =	vlt.s32 v7, v4;
	v9 =	vnsel vm3, $0x0, v6;
	(xrf0) =	vmin.scan.msk.u32 $0xffff, v8  }
0x21b: {  	s19 =	sadd.s32 $0xFFFFFFFF, s19;
	s20 =	simm.s32 $0x30;
	p2 =	por $0x1, $0x1;
	v6 =	vld.idx.msk [tilespmem:v5+s3+$0x0], vm5;
	vm3 =	vmmov vm2;
	v5 =	vadd.s32 s31, v2;
	vm2 =	vmmov vm4;
	(xrf0) =	vmax.scan.msk.u32 $0xffff, v9  }
0x21c: {  	_ =	sdelay $0x1  }
0x21d: {  	v7 =	vor.u32 s20, v2;
	_ =	sdelay $0x1  }
0x21e: {  	v10, _, _ =	vpop (xrf0)  }
0x21f: {  	vm5 =	vlt.s32 v7, v4;
	(v2sf) =	vpush v10, $0xF;
	v7, _, _ =	vpop (xrf0)  }
0x220: {  	(v2sf) =	vpush v7, $0xF;
	_ =	sdelay $0x5  }
0x221: {  	p6 =	sne.s32 s19, $0x1  }
.Ltmp41:
0x222: {  	_ = 	snop;
	(pc) =	sbr.rel @!p6 .LBB2_62-.Ltmp41, $4  }
0x223: {  	v6 =	vxor.u32 $0x80000000, v6  }
0x224: {  	v8 =	vnsel vm3, $0xFFFFFFFF, v6  }
0x225: {  	s31 =	sadd.s32 $0x30, s15;
	v9 =	vnsel vm3, $0x0, v6;
	(xrf0) =	vmin.scan.msk.u32 $0xffff, v8  }
0x226: {  	s19 =	sadd.s32 $0xFFFFFFFF, s19;
	s20 =	simm.s32 $0x40;
	p0 =	por $0x1, $0x1;
	v6 =	vld.idx.msk [tilespmem:v5+s3+$0x0], vm4;
	vm3 =	vmmov vm2;
	v5 =	vadd.s32 s31, v2;
	vm2 =	vmmov vm5;
	(xrf0) =	vmax.scan.msk.u32 $0xffff, v9  }
0x227: {  	_ =	sdelay $0x1  }
0x228: {  	v7 =	vor.u32 s20, v2;
	_ =	sdelay $0x1  }
0x229: {  	v10, _, _ =	vpop (xrf0)  }
0x22a: {  	vm4 =	vlt.s32 v7, v4;
	(v2sf) =	vpush v10, $0xF;
	v7, _, _ =	vpop (xrf0)  }
0x22b: {  	(v2sf) =	vpush v7, $0xF;
	_ =	sdelay $0x2  }
0x22c: {  	p6 =	sne.s32 s19, $0x1  }
.Ltmp42:
0x22d: {  	_ = 	snop;
	(pc) =	sbr.rel @!p6 .LBB2_64-.Ltmp42, $4  }
0x22e: {  	v6 =	vxor.u32 $0x80000000, v6  }
0x22f: {  	s21 =	simm.s32 @!p0 $0x0;
	v8 =	vnsel vm3, $0xFFFFFFFF, v6  }
0x230: {  	s31 =	sadd.s32 $0x40, s15;
	s19 =	sadd.s32 $0xFFFFFFFF, s19;
	s21 =	simm.s32 @p0 $0x1;
	v9 =	vnsel vm3, $0x0, v6;
	(xrf0) =	vmin.scan.msk.u32 $0xffff, v8  }
0x231: {  	s20 =	simm.s32 $0x50;
	p4 =	por $0x1, $0x1;
	[smem:$0x7FA] =	sst s21;
	v6 =	vld.idx.msk [tilespmem:v5+s3+$0x0], vm5;
	vm3 =	vmmov vm2;
	v5 =	vadd.s32 s31, v2;
	vm2 =	vmmov vm4;
	(xrf0) =	vmax.scan.msk.u32 $0xffff, v9  }
0x232: {  	_ =	sdelay $0x1  }
0x233: {  	v7 =	vor.u32 s20, v2;
	_ =	sdelay $0x1  }
0x234: {  	v10, _, _ =	vpop (xrf0)  }
0x235: {  	vm5 =	vlt.s32 v7, v4;
	(v2sf) =	vpush v10, $0xF;
	v7, _, _ =	vpop (xrf0)  }
0x236: {  	(v2sf) =	vpush v7, $0xF;
	_ =	sdelay $0x2  }
0x237: {  	p6 =	sne.s32 s19, $0x1  }
.Ltmp43:
0x238: {  	_ = 	snop;
	(pc) =	sbr.rel @!p6 .LBB2_66-.Ltmp43, $4  }
0x239: {  	s23 =	sadd.s32 $0x50, s15;
	v6 =	vxor.u32 $0x80000000, v6  }
0x23a: {  	v8 =	vnsel vm3, $0xFFFFFFFF, v6;
	v9 =	vnsel vm3, $0x0, v6;
	v6 =	vld.idx.msk [tilespmem:v5+s3+$0x0], vm4;
	v5 =	vadd.s32 s23, v2  }
0x23b: {  	s21 =	sadd.s32 $0xFFFFFFFF, s19;
	s22 =	simm.s32 $0x60;
	(xrf0) =	vmin.scan.msk.u32 $0xffff, v8  }
0x23c: {  	p5 =	por $0x1, $0x1;
	s19 =	simm.s32 $0x7FFFFFFF;
	s20 =	simm.s32 $0x80000000;
	vm3 =	vmmov vm2;
	vm2 =	vmmov vm5;
	(xrf0) =	vmax.scan.msk.u32 $0xffff, v9  }
.LBB2_67:
0x23d: {  	s23 =	smov.u32 s20;
	s24 =	smov.u32 s19  }
0x23e: {  	s19 =	sadd.s32 s22, s15;
	v7 =	vor.u32 s22, v2;
	p6 =	sne.s32 s21, $0x1  }
.Ltmp44:
0x23f: {  	s21 =	sadd.s32 $0xFFFFFFFF, s21;
	v8 =	vxor.u32 $0x80000000, v6;
	v6 =	vld.idx.msk [tilespmem:v5+s3+$0x0], vm5;
	vm5 =	vlt.s32 v7, v4;
	s20 =	spop (v2sf);
	(pc) =	sbr.rel @p6 .LBB2_67-.Ltmp44, $4  }
0x240: {  	v9 =	vnsel vm3, $0xFFFFFFFF, v8;
	v5 =	vadd.s32 s19, v2;
	s25 =	spop (v2sf)  }
0x241: {  	v8 =	vnsel vm3, $0x0, v8;
	vm3 =	vmmov vm2;
	s19 =	sxor.u32 $0x80000000, s20;
	vm2 =	vmmov vm5;
	(xrf0) =	vmin.scan.msk.u32 $0xffff, v9;
	v7, _, _ =	vpop (xrf0);
	s20 =	sxor.u32 $0x80000000, s25  }
0x242: {  	p0 =	slt.s32 s24, s19;
	(xrf0) =	vmax.scan.msk.u32 $0xffff, v8;
	(v2sf) =	vpush v7, $0xF;
	v7, _, _ =	vpop (xrf0);
	p3 =	sgt.s32 s23, s20  }
0x243: {  	s22 =	sadd.s32 $0x10, s22;
	s19 =	smov.u32 @p0 s24;
	(v2sf) =	vpush v7, $0xF;
	s20 =	smov.u32 @p3 s23  }
0x244: {  	vm4 =	vmmov vm5  }
.LBB2_69:
0x245: {  	_ =	sdelay $0x4  }
0x246: {  	v5 =	vld.idx.msk [tilespmem:v5+s3+$0x0], vm4;
	v6 =	vxor.u32 @p1 $0x80000000, v6  }
0x247: {  	v7 =	vnsel @p1 vm3, $0xFFFFFFFF, v6  }
0x248: {  	v6 =	vnsel @p1 vm3, $0x0, v6  }
0x249: {  	(xrf0) =	vmin.scan.msk.u32 @p1 $0xffff, v7  }
0x24a: {  	s21 =	spop @p5 (v2sf);
	v7, _, _ =	vpop @p2 (xrf0)  }
0x24b: {  	vm2 =	vmmov vm2;
	s22 =	spop @p5 (v2sf);
	s21 =	sxor.u32 @p5 $0x80000000, s21;
	(xrf0) =	vmax.scan.msk.u32 @p1 $0xffff, v6;
	(v2sf) =	vpush @p2 v7, $0xF;
	v6, _, _ =	vpop @p2 (xrf0);
	v5 =	vxor.u32 $0x80000000, v5  }
0x24c: {  	s22 =	sxor.u32 @p5 $0x80000000, s22;
	p0 =	slt.s32 @p5 s19, s21;
	(v2sf) =	vpush @p2 v6, $0xF;
	v6 =	vnsel vm2, $0xFFFFFFFF, v5  }
0x24d: {  	p3 =	sgt.s32 @p5 s20, s22;
	p0 =	por !p0, !p5  }
0x24e: {  	s19 =	smov.u32 @p0 s21;
	p0 =	por !p3, !p5;
	v5 =	vnsel vm2, $0x0, v5;
	(xrf0) =	vmin.scan.msk.u32 $0xffff, v6  }
0x24f: {  	s29 =	sld [smem:$0x7FA];
	s21 =	simm.s32 $0x7FFFFFFF;
	s20 =	smov.u32 @p0 s22;
	v6, _, _ =	vpop @p1 (xrf0);
	(xrf0) =	vmax.scan.msk.u32 $0xffff, v5  }
0x250: {  	s22 =	spop @p4 (v2sf);
	s21 =	smov.u32 @p5 s19;
	s19 =	simm.s32 $0x80000000  }
0x251: {  	s23 =	spop @p4 (v2sf);
	s19 =	smov.u32 @p5 s20;
	s20 =	sxor.u32 @p4 $0x80000000, s22;
	(v2sf) =	vpush @p1 v6, $0xF;
	v5, _, _ =	vpop @p1 (xrf0)  }
0x252: {  	s22 =	sxor.u32 @p4 $0x80000000, s23;
	p0 =	slt.s32 @p4 s21, s20;
	(v2sf) =	vpush @p1 v5, $0xF  }
0x253: {  	p5 =	seq.s32 s29, $0x1;
	p3 =	sgt.s32 @p4 s19, s22;
	p0 =	por !p0, !p4  }
0x254: {  	p3 =	por !p3, !p4;
	s21 =	smov.u32 @p0 s20;
	s20 =	simm.s32 $0x7FFFFFFF;
	v5, _, _ =	vpop (xrf0)  }
0x255: {  	s19 =	smov.u32 @p3 s22;
	s20 =	smov.u32 @p4 s21;
	s21 =	spop @p5 (v2sf);
	(v2sf) =	vpush v5, $0xF;
	v5, _, _ =	vpop (xrf0)  }
0x256: {  	s22 =	simm.s32 $0x80000000;
	s23 =	spop @p5 (v2sf);
	s21 =	sxor.u32 @p5 $0x80000000, s21;
	(v2sf) =	vpush v5, $0xF  }
0x257: {  	s22 =	smov.u32 @p4 s19;
	s19 =	sxor.u32 @p5 $0x80000000, s23;
	p0 =	slt.s32 @p5 s20, s21  }
0x258: {  	p3 =	sgt.s32 @p5 s22, s19;
	p0 =	por !p0, !p5  }
0x259: {  	s20 =	smov.u32 @p0 s21;
	p0 =	por !p3, !p5  }
0x25a: {  	s22 =	smov.u32 @p0 s19;
	s19 =	simm.s32 $0x7FFFFFFF  }
0x25b: {  	s19 =	smov.u32 @p5 s20;
	s21 =	spop @p2 (v2sf)  }
0x25c: {  	s20 =	simm.s32 $0x80000000;
	s23 =	spop @p2 (v2sf);
	s21 =	sxor.u32 @p2 $0x80000000, s21  }
0x25d: {  	s20 =	smov.u32 @p5 s22;
	s22 =	sxor.u32 @p2 $0x80000000, s23;
	p0 =	slt.s32 @p2 s19, s21  }
0x25e: {  	p3 =	sgt.s32 @p2 s20, s22;
	p0 =	por !p0, !p2  }
0x25f: {  	p3 =	por !p3, !p2;
	s19 =	smov.u32 @p0 s21;
	s21 =	simm.s32 $0x7FFFFFFF  }
0x260: {  	s20 =	smov.u32 @p3 s22;
	s21 =	smov.u32 @p2 s19;
	s19 =	spop @p1 (v2sf)  }
0x261: {  	s22 =	simm.s32 $0x80000000;
	s23 =	spop @p1 (v2sf);
	s19 =	sxor.u32 @p1 $0x80000000, s19  }
0x262: {  	s22 =	smov.u32 @p2 s20;
	s20 =	sxor.u32 @p1 $0x80000000, s23;
	p0 =	slt.s32 @p1 s21, s19  }
0x263: {  	p2 =	sgt.s32 @p1 s22, s20;
	p0 =	por !p0, !p1  }
0x264: {  	s21 =	smov.u32 @p0 s19;
	p0 =	por !p2, !p1;
	s30 =	spop (v2sf)  }
0x265: {  	s22 =	smov.u32 @p0 s20;
	s14 =	smov.u32 @p1 s21;
	s31 =	spop (v2sf)  }
0x266: {  	s21 =	sxor.u32 $0x80000000, s30;
	s18 =	smov.u32 @p1 s22;
	s19 =	sxor.u32 $0x80000000, s31  }
0x267: {  	p0 =	slt.s32 s14, s21;
	p1 =	sgt.s32 s18, s19  }
0x268: {  	s21 =	smov.u32 @p0 s14;
	s19 =	smov.u32 @p1 s18  }
0x269: {  	p1 =	sge.s32 s21, s19  }
.Ltmp45:
0x26a: {  	_ = 	snop;
	(pc) =	sbr.rel @p1 .LBB2_85-.Ltmp45, $3  }
0x26b: {  	_ =	sdelay $0x1  }
0x26c: {  	p0 =	slt.s32 s21, s19;
	s14 =	smov.u32 s19  }
0x26d: {  	s14 =	smov.u32 @p0 s21  }
.LBB2_70:
0x26e: {  	s31 =	sld [smem:$0x7FB];
	_ =	sdelay $0x2  }
0x26f: {  	p0 =	seq.s32 s31, $0x1  }
.Ltmp46:
0x270: {  	_ = 	snop;
	(pc) =	sbr.rel @!p0 .LBB2_71-.Ltmp46, $4  }
0x271: {  	s18 =	sxor.u32 s19, s14;
	s21 =	sand.u32 s19, s14;
	s20 =	simm.s32 $0x0  }
0x272: {  	s22 =	sadd.s32 $0x0, s15;
	p1 =	por $0x0, $0x0;
	s18 =	sshra.s32 s18, $0x1;
	v5 =	vor.u32 s20, v2  }
0x273: {  	p2 =	por $0x0, $0x0;
	p3 =	por $0x0, $0x0;
	s18 =	sadd.s32 s18, s21;
	vm4 =	vlt.s32 v5, v4  }
0x274: {  	p4 =	por $0x0, $0x0;
	p5 =	por $0x0, $0x0;
	v6 =	vadd.s32 s22, v2;
	s21 =	simm.s32 $0x10;
	v5 =	vmov s18;
	vm2 =	vmmov vm4  }
0x275: {  	p0 =	sne.s32 s16, $0x1  }
.Ltmp47:
0x276: {  	_ = 	snop;
	(pc) =	sbr.rel @!p0 .LBB2_73-.Ltmp47, $4  }
0x277: {  	_ = 	snop  }
0x278: {  	v7 =	vor.u32 s21, v2  }
0x279: {  	s22 =	sadd.s32 $0x10, s15;
	vm5 =	vlt.s32 v7, v4  }
0x27a: {  	vm3 =	vmmov vm2;
	s21 =	sadd.s32 $0xFFFFFFFF, s16;
	p1 =	por $0x1, $0x1;
	v7 =	vld.idx.msk [tilespmem:v6+s3+$0x0], vm4;
	v6 =	vadd.s32 s22, v2;
	s22 =	simm.s32 $0x20;
	vm2 =	vmmov vm5  }
0x27b: {  	_ =	sdelay $0x1  }
0x27c: {  	p0 =	sne.s32 s21, $0x1  }
.Ltmp48:
0x27d: {  	_ = 	snop;
	(pc) =	sbr.rel @!p0 .LBB2_75-.Ltmp48, $4  }
0x27e: {  	vm4 =	vle.s32 v7, v5  }
0x27f: {  	v7 =	vor.u32 s22, v2;
	vm6 =	vmand vm3, vm4  }
0x280: {  	s31 =	sadd.s32 $0x20, s15;
	vm4 =	vlt.s32 v7, v4;
	v8 =	vsel vm6, $0x1, v3  }
0x281: {  	s21 =	sadd.s32 $0xFFFFFFFF, s21;
	p2 =	por $0x1, $0x1;
	s22 =	simm.s32 $0x30;
	v7 =	vld.idx.msk [tilespmem:v6+s3+$0x0], vm5;
	vm3 =	vmmov vm2;
	v6 =	vadd.s32 s31, v2;
	vm2 =	vmmov vm4;
	(xrf0) =	vadd.scan.msk.s32 $0xffff, v8  }
0x282: {  	_ =	sdelay $0x4  }
0x283: {  	v8, _, _ =	vpop (xrf0)  }
0x284: {  	(v2sf) =	vpush v8, $0xF;
	_ =	sdelay $0x6  }
0x285: {  	p0 =	sne.s32 s21, $0x1  }
.Ltmp49:
0x286: {  	_ = 	snop;
	(pc) =	sbr.rel @!p0 .LBB2_77-.Ltmp49, $4  }
0x287: {  	vm5 =	vle.s32 v7, v5  }
0x288: {  	v7 =	vor.u32 s22, v2;
	vm6 =	vmand vm3, vm5  }
0x289: {  	s31 =	sadd.s32 $0x30, s15;
	vm5 =	vlt.s32 v7, v4;
	v7 =	vld.idx.msk [tilespmem:v6+s3+$0x0], vm4;
	v6 =	vsel vm6, $0x1, v3  }
0x28a: {  	s21 =	sadd.s32 $0xFFFFFFFF, s21;
	p3 =	por $0x1, $0x1;
	s22 =	simm.s32 $0x40;
	vm3 =	vmmov vm2;
	vm2 =	vmmov vm5;
	(xrf0) =	vadd.scan.msk.s32 $0xffff, v6;
	v6 =	vadd.s32 s31, v2  }
0x28b: {  	_ =	sdelay $0x4  }
0x28c: {  	v8, _, _ =	vpop (xrf0)  }
0x28d: {  	(v2sf) =	vpush v8, $0xF;
	_ =	sdelay $0x3  }
0x28e: {  	p0 =	sne.s32 s21, $0x1  }
.Ltmp50:
0x28f: {  	_ = 	snop;
	(pc) =	sbr.rel @!p0 .LBB2_79-.Ltmp50, $4  }
0x290: {  	vm4 =	vle.s32 v7, v5  }
0x291: {  	v7 =	vor.u32 s22, v2;
	vm6 =	vmand vm3, vm4  }
0x292: {  	s31 =	sadd.s32 $0x40, s15;
	vm4 =	vlt.s32 v7, v4;
	v7 =	vld.idx.msk [tilespmem:v6+s3+$0x0], vm5;
	v6 =	vsel vm6, $0x1, v3  }
0x293: {  	s21 =	sadd.s32 $0xFFFFFFFF, s21;
	p4 =	por $0x1, $0x1;
	s22 =	simm.s32 $0x50;
	vm3 =	vmmov vm2;
	vm2 =	vmmov vm4;
	(xrf0) =	vadd.scan.msk.s32 $0xffff, v6;
	v6 =	vadd.s32 s31, v2  }
0x294: {  	_ =	sdelay $0x4  }
0x295: {  	v8, _, _ =	vpop (xrf0)  }
0x296: {  	(v2sf) =	vpush v8, $0xF;
	_ =	sdelay $0x2  }
0x297: {  	vm5 =	vle.s32 v7, v5  }
0x298: {  	p6 =	sne.s32 s21, $0x1;
	v7 =	vor.u32 s22, v2;
	vm6 =	vmand vm3, vm5  }
.Ltmp51:
0x299: {  	s31 =	sadd.s32 $0x50, s15;
	vm5 =	vlt.s32 v7, v4;
	v7 =	vld.idx.msk [tilespmem:v6+s3+$0x0], vm4;
	v6 =	vsel vm6, $0x1, v3;
	(pc) =	sbr.rel @!p6 .LBB2_81-.Ltmp51, $3  }
0x29a: {  	(xrf0) =	vadd.scan.msk.s32 $0xffff, v6;
	v6 =	vadd.s32 s31, v2;
	_ =	sdelay $0x1  }
0x29b: {  	s23 =	simm.s32 $0x60  }
0x29c: {  	p5 =	por $0x1, $0x1;
	s22 =	sadd.s32 $0xFFFFFFFF, s21;
	s21 =	simm.s32 $0x0;
	vm3 =	vmmov vm2;
	vm2 =	vmmov vm5  }
.LBB2_82:
0x29d: {  	v8 =	vor.u32 s23, v2;
	p6 =	sne.s32 s22, $0x1;
	s22 =	sadd.s32 $0xFFFFFFFF, s22  }
.Ltmp52:
0x29e: {  	s24 =	sadd.s32 s23, s15;
	vm4 =	vle.s32 v7, v5;
	v7 =	vld.idx.msk [tilespmem:v6+s3+$0x0], vm5;
	vm5 =	vlt.s32 v8, v4;
	(pc) =	sbr.rel @p6 .LBB2_82-.Ltmp52, $4  }
0x29f: {  	v6 =	vadd.s32 s24, v2;
	vm4 =	vmand vm3, vm4;
	vm3 =	vmmov vm2;
	s24 =	spop (v2sf)  }
0x2a0: {  	v9 =	vsel vm4, $0x1, v3;
	vm2 =	vmmov vm5;
	s21 =	sadd.s32 s21, s24  }
0x2a1: {  	(xrf0) =	vadd.scan.msk.s32 $0xffff, v9;
	v8, _, _ =	vpop (xrf0)  }
0x2a2: {  	s23 =	sadd.s32 $0x10, s23;
	(v2sf) =	vpush v8, $0xF  }
0x2a3: {  	vm4 =	vmmov vm5  }
.LBB2_84:
0x2a4: {  	_ =	sdelay $0x4  }
0x2a5: {  	v6 =	vld.idx.msk [tilespmem:v6+s3+$0x0], vm4;
	_ =	sdelay $0x2  }
0x2a6: {  	vm4 =	vle.s32 @p1 v7, v5  }
0x2a7: {  	vm3 =	vmand @p1 vm3, vm4  }
0x2a8: {  	vm2 =	vmmov vm2;
	v7 =	vsel @p1 vm3, $0x1, v3;
	vm3 =	vle.s32 v6, v5  }
0x2a9: {  	(xrf0) =	vadd.scan.msk.s32 @p1 $0xffff, v7;
	vm2 =	vmand vm2, vm3  }
0x2aa: {  	v5 =	vsel vm2, $0x1, v3  }
0x2ab: {  	(xrf0) =	vadd.scan.msk.s32 $0xffff, v5;
	_ =	sdelay $0x1  }
0x2ac: {  	v5, _, _ =	vpop @p2 (xrf0)  }
0x2ad: {  	(v2sf) =	vpush @p2 v5, $0xF  }
0x2ae: {  	v5, _, _ =	vpop @p1 (xrf0)  }
0x2af: {  	(v2sf) =	vpush @p1 v5, $0xF  }
0x2b0: {  	v5, _, _ =	vpop (xrf0)  }
0x2b1: {  	(v2sf) =	vpush v5, $0xF;
	_ =	sdelay $0x4  }
0x2b2: {  	s22 =	spop @p5 (v2sf)  }
0x2b3: {  	s21 =	sadd.s32 @p5 s21, s22;
	s22 =	simm.s32 $0x0  }
0x2b4: {  	s22 =	smov.u32 @p5 s21;
	s21 =	spop @p4 (v2sf)  }
0x2b5: {  	s21 =	sadd.s32 @p4 s22, s21;
	s22 =	simm.s32 $0x0  }
0x2b6: {  	s22 =	smov.u32 @p4 s21;
	s21 =	spop @p3 (v2sf)  }
0x2b7: {  	s21 =	sadd.s32 @p3 s22, s21;
	s22 =	simm.s32 $0x0  }
0x2b8: {  	s22 =	smov.u32 @p3 s21;
	s21 =	spop @p2 (v2sf)  }
0x2b9: {  	s21 =	sadd.s32 @p2 s22, s21;
	s22 =	simm.s32 $0x0  }
0x2ba: {  	s22 =	smov.u32 @p2 s21;
	s21 =	spop @p1 (v2sf)  }
0x2bb: {  	s21 =	sadd.s32 @p1 s22, s21  }
0x2bc: {  	s20 =	smov.u32 @p1 s21;
	s31 =	spop (v2sf)  }
0x2bd: {  	s20 =	sadd.s32 s20, s31  }
0x2be: {  	p0 =	slt.s32 s20, s17;
	s20 =	sadd.s32 $0x1, s18  }
0x2bf: {  	s14 =	smov.u32 @p0 s20;
	s18 =	smov.u32 @p0 s19  }
0x2c0: {  	p0 =	slt.s32 s14, s18  }
.Ltmp53:
0x2c1: {  	_ = 	snop;
	(pc) =	sbr.rel @p0 .LBB2_70-.Ltmp53, $4  }
.Ltmp54:
0x2c2: {  	_ = 	snop;
	(pc) =	sbr.rel @!p0 .LBB2_85-.Ltmp54, $4  }
0x2c3: {  	_ = 	snop  }
0x2c4: {  	_ = 	snop  }
0x2c5: {  	s19 =	smov.u32 s18  }
0x2c6: {  	_ = 	snop  }
.LBB2_71:
.Ltmp55:
0x2c7: {  	(pc) =	sbr.rel .LBB2_84-.Ltmp55, $2  }
0x2c8: {  	_ =	sdelay $0x2  }
0x2c9: {  	s21 =	simm.s32 $0x0  }
.LBB2_73:
.Ltmp56:
0x2ca: {  	(pc) =	sbr.rel .LBB2_84-.Ltmp56, $2  }
0x2cb: {  	_ =	sdelay $0x2  }
0x2cc: {  	vm4 =	vmmov vm5;
	s21 =	simm.s32 $0x0  }
.LBB2_75:
.Ltmp57:
0x2cd: {  	(pc) =	sbr.rel .LBB2_84-.Ltmp57, $2  }
0x2ce: {  	_ =	sdelay $0x2  }
0x2cf: {  	s21 =	simm.s32 $0x0  }
.LBB2_77:
.Ltmp58:
0x2d0: {  	(pc) =	sbr.rel .LBB2_84-.Ltmp58, $2  }
0x2d1: {  	_ =	sdelay $0x2  }
0x2d2: {  	vm4 =	vmmov vm5;
	s21 =	simm.s32 $0x0  }
.LBB2_79:
.Ltmp59:
0x2d3: {  	(pc) =	sbr.rel .LBB2_84-.Ltmp59, $2  }
0x2d4: {  	_ =	sdelay $0x3  }
0x2d5: {  	s21 =	simm.s32 $0x0  }
.LBB2_81:
.Ltmp60:
0x2d6: {  	(pc) =	sbr.rel .LBB2_84-.Ltmp60, $2  }
0x2d7: {  	_ =	sdelay $0x2  }
0x2d8: {  	vm4 =	vmmov vm5;
	s21 =	simm.s32 $0x0  }
.LBB2_85:
0x2d9: {  	s31 =	sld [smem:$0x7FB];
	_ =	sdelay $0x2  }
0x2da: {  	p0 =	seq.s32 s31, $0x1  }
.Ltmp61:
0x2db: {  	_ = 	snop;
	(pc) =	sbr.rel @!p0 .LBB2_86-.Ltmp61, $4  }
0x2dc: {  	s18 =	simm.s32 $0x0  }
0x2dd: {  	s21 =	sadd.s32 $0xFFFFFFFF, s14;
	v5 =	vor.u32 s18, v2  }
0x2de: {  	s20 =	sadd.s32 $0x0, s15;
	s19 =	simm.s32 $0x10;
	p2 =	por $0x0, $0x0;
	vm4 =	vlt.s32 v5, v4  }
0x2df: {  	p3 =	por $0x0, $0x0;
	p4 =	por $0x0, $0x0;
	p5 =	por $0x0, $0x0;
	v6 =	vmov s21;
	v7 =	vadd.s32 s20, v2;
	vm2 =	vmmov vm4  }
0x2e0: {  	p0 =	sne.s32 s16, $0x1  }
.Ltmp62:
0x2e1: {  	_ = 	snop;
	(pc) =	sbr.rel @!p0 .LBB2_88-.Ltmp62, $4  }
0x2e2: {  	_ = 	snop  }
0x2e3: {  	v8 =	vor.u32 s19, v2  }
0x2e4: {  	s22 =	sadd.s32 $0x10, s15;
	vm5 =	vlt.s32 v8, v4  }
0x2e5: {  	vm3 =	vmmov vm2;
	s21 =	sadd.s32 $0xFFFFFFFF, s16;
	p2 =	por $0x1, $0x1;
	v8 =	vld.idx.msk [tilespmem:v7+s3+$0x0], vm4;
	v7 =	vadd.s32 s22, v2;
	s22 =	simm.s32 $0x20;
	vm2 =	vmmov vm5  }
0x2e6: {  	_ =	sdelay $0x1  }
0x2e7: {  	p0 =	sne.s32 s21, $0x1  }
.Ltmp63:
0x2e8: {  	_ = 	snop;
	(pc) =	sbr.rel @!p0 .LBB2_90-.Ltmp63, $4  }
0x2e9: {  	vm4 =	vle.s32 v8, v6  }
0x2ea: {  	v8 =	vor.u32 s22, v2;
	vm6 =	vmand vm3, vm4  }
0x2eb: {  	s31 =	sadd.s32 $0x20, s15;
	vm4 =	vlt.s32 v8, v4;
	v9 =	vsel vm6, $0x1, v3  }
0x2ec: {  	s21 =	sadd.s32 $0xFFFFFFFF, s21;
	p3 =	por $0x1, $0x1;
	s22 =	simm.s32 $0x30;
	v8 =	vld.idx.msk [tilespmem:v7+s3+$0x0], vm5;
	vm3 =	vmmov vm2;
	v7 =	vadd.s32 s31, v2;
	vm2 =	vmmov vm4;
	(xrf0) =	vadd.scan.msk.s32 $0xffff, v9  }
0x2ed: {  	_ =	sdelay $0x4  }
0x2ee: {  	v9, _, _ =	vpop (xrf0)  }
0x2ef: {  	(v2sf) =	vpush v9, $0xF;
	_ =	sdelay $0x6  }
0x2f0: {  	p0 =	sne.s32 s21, $0x1  }
.Ltmp64:
0x2f1: {  	_ = 	snop;
	(pc) =	sbr.rel @!p0 .LBB2_92-.Ltmp64, $4  }
0x2f2: {  	vm5 =	vle.s32 v8, v6  }
0x2f3: {  	v8 =	vor.u32 s22, v2;
	vm6 =	vmand vm3, vm5  }
0x2f4: {  	s31 =	sadd.s32 $0x30, s15;
	vm5 =	vlt.s32 v8, v4;
	v8 =	vld.idx.msk [tilespmem:v7+s3+$0x0], vm4;
	v7 =	vsel vm6, $0x1, v3  }
0x2f5: {  	s21 =	sadd.s32 $0xFFFFFFFF, s21;
	p4 =	por $0x1, $0x1;
	s22 =	simm.s32 $0x40;
	vm3 =	vmmov vm2;
	vm2 =	vmmov vm5;
	(xrf0) =	vadd.scan.msk.s32 $0xffff, v7;
	v7 =	vadd.s32 s31, v2  }
0x2f6: {  	_ =	sdelay $0x4  }
0x2f7: {  	v9, _, _ =	vpop (xrf0)  }
0x2f8: {  	(v2sf) =	vpush v9, $0xF;
	_ =	sdelay $0x3  }
0x2f9: {  	p0 =	sne.s32 s21, $0x1  }
.Ltmp65:
0x2fa: {  	_ = 	snop;
	(pc) =	sbr.rel @!p0 .LBB2_94-.Ltmp65, $4  }
0x2fb: {  	vm4 =	vle.s32 v8, v6  }
0x2fc: {  	v8 =	vor.u32 s22, v2;
	vm6 =	vmand vm3, vm4  }
0x2fd: {  	s31 =	sadd.s32 $0x40, s15;
	vm4 =	vlt.s32 v8, v4;
	v8 =	vld.idx.msk [tilespmem:v7+s3+$0x0], vm5;
	v7 =	vsel vm6, $0x1, v3  }
0x2fe: {  	s21 =	sadd.s32 $0xFFFFFFFF, s21;
	p5 =	por $0x1, $0x1;
	s22 =	simm.s32 $0x50;
	vm3 =	vmmov vm2;
	vm2 =	vmmov vm4;
	(xrf0) =	vadd.scan.msk.s32 $0xffff, v7;
	v7 =	vadd.s32 s31, v2  }
0x2ff: {  	_ =	sdelay $0x4  }
0x300: {  	v9, _, _ =	vpop (xrf0)  }
0x301: {  	(v2sf) =	vpush v9, $0xF;
	_ =	sdelay $0x2  }
0x302: {  	vm5 =	vle.s32 v8, v6  }
0x303: {  	p1 =	sne.s32 s21, $0x1;
	v8 =	vor.u32 s22, v2;
	vm6 =	vmand vm3, vm5  }
.Ltmp66:
0x304: {  	s31 =	sadd.s32 $0x50, s15;
	vm5 =	vlt.s32 v8, v4;
	v8 =	vld.idx.msk [tilespmem:v7+s3+$0x0], vm4;
	v7 =	vsel vm6, $0x1, v3;
	(pc) =	sbr.rel @!p1 .LBB2_96-.Ltmp66, $3  }
0x305: {  	(xrf0) =	vadd.scan.msk.s32 $0xffff, v7;
	v7 =	vadd.s32 s31, v2;
	_ =	sdelay $0x1  }
0x306: {  	s23 =	simm.s32 $0x60  }
0x307: {  	p6 =	por $0x1, $0x1;
	s22 =	sadd.s32 $0xFFFFFFFF, s21;
	s21 =	simm.s32 $0x0;
	vm3 =	vmmov vm2;
	vm2 =	vmmov vm5  }
.LBB2_97:
0x308: {  	v9 =	vor.u32 s23, v2;
	p1 =	sne.s32 s22, $0x1;
	s22 =	sadd.s32 $0xFFFFFFFF, s22  }
.Ltmp67:
0x309: {  	s24 =	sadd.s32 s23, s15;
	vm4 =	vle.s32 v8, v6;
	v8 =	vld.idx.msk [tilespmem:v7+s3+$0x0], vm5;
	vm5 =	vlt.s32 v9, v4;
	(pc) =	sbr.rel @p1 .LBB2_97-.Ltmp67, $4  }
0x30a: {  	v7 =	vadd.s32 s24, v2;
	vm4 =	vmand vm3, vm4;
	vm3 =	vmmov vm2;
	s24 =	spop (v2sf)  }
0x30b: {  	v10 =	vsel vm4, $0x1, v3;
	vm2 =	vmmov vm5;
	s21 =	sadd.s32 s21, s24  }
0x30c: {  	(xrf0) =	vadd.scan.msk.s32 $0xffff, v10;
	v9, _, _ =	vpop (xrf0)  }
0x30d: {  	s23 =	sadd.s32 $0x10, s23;
	(v2sf) =	vpush v9, $0xF  }
0x30e: {  	vm4 =	vmmov vm5  }
.LBB2_99:
0x30f: {  	_ =	sdelay $0x4  }
0x310: {  	v7 =	vld.idx.msk [tilespmem:v7+s3+$0x0], vm4;
	_ =	sdelay $0x2  }
0x311: {  	vm4 =	vle.s32 @p2 v8, v6  }
0x312: {  	vm3 =	vmand @p2 vm3, vm4  }
0x313: {  	vm2 =	vmmov vm2;
	v8 =	vsel @p2 vm3, $0x1, v3;
	vm3 =	vle.s32 v7, v6  }
0x314: {  	(xrf0) =	vadd.scan.msk.s32 @p2 $0xffff, v8;
	vm2 =	vmand vm2, vm3  }
0x315: {  	v6 =	vsel vm2, $0x1, v3  }
0x316: {  	(xrf0) =	vadd.scan.msk.s32 $0xffff, v6;
	_ =	sdelay $0x1  }
0x317: {  	v6, _, _ =	vpop @p3 (xrf0)  }
0x318: {  	(v2sf) =	vpush @p3 v6, $0xF  }
0x319: {  	v6, _, _ =	vpop @p2 (xrf0)  }
0x31a: {  	(v2sf) =	vpush @p2 v6, $0xF  }
0x31b: {  	v6, _, _ =	vpop (xrf0)  }
0x31c: {  	(v2sf) =	vpush v6, $0xF;
	_ =	sdelay $0x4  }
0x31d: {  	s22 =	spop @p6 (v2sf)  }
0x31e: {  	s21 =	sadd.s32 @p6 s21, s22;
	s22 =	simm.s32 $0x0  }
0x31f: {  	s22 =	smov.u32 @p6 s21;
	s21 =	spop @p5 (v2sf)  }
0x320: {  	s21 =	sadd.s32 @p5 s22, s21;
	s22 =	simm.s32 $0x0  }
0x321: {  	s22 =	smov.u32 @p5 s21;
	s21 =	spop @p4 (v2sf)  }
0x322: {  	s31 =	sld [smem:$0x7FB];
	s21 =	sadd.s32 @p4 s22, s21;
	s22 =	simm.s32 $0x0  }
0x323: {  	s22 =	smov.u32 @p4 s21;
	s21 =	spop @p3 (v2sf)  }
0x324: {  	s21 =	sadd.s32 @p3 s22, s21;
	s22 =	simm.s32 $0x0  }
0x325: {  	p0 =	seq.s32 s31, $0x1;
	s22 =	smov.u32 @p3 s21;
	s21 =	spop @p2 (v2sf)  }
.Ltmp68:
0x326: {  	s21 =	sadd.s32 @p2 s22, s21;
	s22 =	simm.s32 $0x0;
	(pc) =	sbr.rel @!p0 .LBB2_100-.Ltmp68, $4  }
0x327: {  	s22 =	smov.u32 @p2 s21;
	s30 =	spop (v2sf)  }
0x328: {  	s21 =	sadd.s32 s22, s30  }
0x329: {  	s17 =	ssub.s32 s17, s21  }
0x32a: {  	v7 =	vmov s14;
	v6 =	vmov s17;
	s17 =	simm.s32 $0xFFFFFFFF  }
0x32b: {  	vm2 =	vlt.s32 v5, v4  }
0x32c: {  	v5 =	vadd.s32 s20, v2;
	_ =	sdelay $0x4  }
0x32d: {  	v8 =	vld.idx.msk [tilespmem:v5+s3+$0x0], vm2;
	_ =	sdelay $0x4  }
0x32e: {  	vm3 =	veq.s32 v8, v7  }
0x32f: {  	vm2 =	vmand vm2, vm3  }
0x330: {  	v8 =	vsel vm2, $0x1, v3  }
0x331: {  	(xrf0) =	vadd.scan.msk.s32 $0xffff, v8  }
0x332: {  	p1 =	sne.s32 s16, $0x1  }
.Ltmp69:
0x333: {  	_ = 	snop;
	(pc) =	sbr.rel @!p1 .LBB2_102-.Ltmp69, $2  }
0x334: {  	_ =	sdelay $0x2  }
0x335: {  	s16 =	sadd.s32 $0xFFFFFFFF, s16;
	p0 =	por $0x1, $0x1;
	p3 =	por $0x0, $0x0;
	v8, _, _ =	vpop (xrf0)  }
0x336: {  	v8 =	vadd.s32 s18, v8  }
0x337: {  	v9 =	vxor.u32 $0x80000000, v8  }
0x338: {  	(xrf0) =	vmax.scan.msk.u32 $0xffff, v9;
	_ =	sdelay $0x2  }
0x339: {  	v9 =	vor.u32 s19, v2;
	_ =	sdelay $0x1  }
0x33a: {  	s20 =	sadd.s32 $0x10, s15;
	vm3 =	vlt.s32 v9, v4  }
0x33b: {  	v10 =	vxor.u32 $0x80000000, v5;
	v5 =	vadd.s32 s20, v2;
	v9, _, _ =	vpop (xrf0)  }
0x33c: {  	(v2sf) =	vpush v9, $0xF;
	_ =	sdelay $0x3  }
0x33d: {  	v9 =	vld.idx.msk [tilespmem:v5+s3+$0x0], vm3  }
0x33e: {  	vm4 =	veq.s32 v8, v6  }
0x33f: {  	vm2 =	vmand vm2, vm4  }
0x340: {  	v8 =	vnsel vm2, $0x7FFFFFFF, v10  }
0x341: {  	(xrf0) =	vmax.scan.msk.u32 $0xffff, v8  }
0x342: {  	vm15 =	veq.s32 v9, v7  }
0x343: {  	vm2 =	vmand vm3, vm15  }
0x344: {  	v8 =	vsel vm2, $0x1, v3;
	_ =	sdelay $0x2  }
0x345: {  	(xrf0) =	vadd.scan.msk.s32 $0xffff, v8;
	v8, _, _ =	vpop (xrf0)  }
0x346: {  	s21 =	spop (v2sf);
	(v2sf) =	vpush v8, $0xF;
	_ =	sdelay $0x7  }
0x347: {  	p1 =	sne.s32 s16, $0x1  }
.Ltmp70:
0x348: {  	_ = 	snop;
	(pc) =	sbr.rel @!p1 .LBB2_104-.Ltmp70, $3  }
0x349: {  	_ =	sdelay $0x1  }
0x34a: {  	p3 =	por $0x1, $0x1  }
0x34b: {  	s20 =	sadd.s32 $0xFFFFFFFF, s16;
	s16 =	simm.s32 $0xFFFFFFFF;
	v8, _, _ =	vpop (xrf0);
	s21 =	sxor.u32 $0x80000000, s21  }
.LBB2_105:
0x34c: {  	s22 =	smov.u32 s16  }
0x34d: {  	p2 =	sne.s32 s20, $0x1;
	v8 =	vadd.s32 s21, v8;
	s16 =	spop (v2sf)  }
0x34e: {  	vm3 =	veq.s32 v8, v6;
	v8 =	vxor.u32 $0x80000000, v8;
	s16 =	sxor.u32 $0x80000000, s16  }
0x34f: {  	v5 =	vxor.u32 $0x80000000, v5;
	s19 =	sadd.s32 $0x10, s19;
	vm2 =	vmand vm2, vm3;
	(xrf0) =	vmax.scan.msk.u32 $0xffff, v8;
	p1 =	sgt.s32 s22, s16  }
0x350: {  	v8 =	vor.u32 s19, v2;
	v5 =	vnsel vm2, $0x7FFFFFFF, v5;
	s16 =	smov.u32 @p1 s22  }
0x351: {  	s21 =	sadd.s32 s19, s15;
	vm2 =	vlt.s32 v8, v4;
	(xrf0) =	vmax.scan.msk.u32 $0xffff, v5  }
0x352: {  	v5 =	vadd.s32 s21, v2;
	_ =	sdelay $0x2  }
0x353: {  	v8, _, _ =	vpop (xrf0)  }
0x354: {  	(v2sf) =	vpush v8, $0xF  }
0x355: {  	v8 =	vld.idx.msk [tilespmem:v5+s3+$0x0], vm2;
	v9, _, _ =	vpop (xrf0)  }
0x356: {  	(v2sf) =	vpush v9, $0xF;
	_ =	sdelay $0x4  }
0x357: {  	vm3 =	veq.s32 v8, v7  }
0x358: {  	vm2 =	vmand vm2, vm3  }
0x359: {  	v8 =	vsel vm2, $0x1, v3  }
0x35a: {  	(xrf0) =	vadd.scan.msk.s32 $0xffff, v8;
	_ =	sdelay $0x1  }
.Ltmp71:
0x35b: {  	(pc) =	sbr.rel @p2 .LBB2_105-.Ltmp71, $3  }
0x35c: {  	_ =	sdelay $0x1  }
0x35d: {  	s21 =	spop (v2sf)  }
0x35e: {  	s20 =	sadd.s32 $0xFFFFFFFF, s20;
	v8, _, _ =	vpop (xrf0);
	s21 =	sxor.u32 $0x80000000, s21  }
.Ltmp72:
0x35f: {  	_ = 	snop;
	(pc) =	sbr.rel .LBB2_106-.Ltmp72, $1  }
0x360: {  	_ =	sdelay $0x3  }
.LBB2_3:
.Ltmp73:
0x361: {  	(pc) =	sbr.rel .LBB2_16-.Ltmp73, $4  }
0x362: {  	p0 =	por $0x0, $0x0  }
0x363: {  	s21 =	simm.s32 @!p0 $0x0  }
0x364: {  	s21 =	simm.s32 @p0 $0x1  }
0x365: {  	s22 =	simm.s32 $0x80000000;
	[smem:$0x7FC] =	sst s21;
	s21 =	simm.s32 $0x7FFFFFFF  }
.LBB2_33:
.Ltmp74:
0x366: {  	(pc) =	sbr.rel .LBB2_46-.Ltmp74, $2  }
0x367: {  	_ =	sdelay $0x2  }
0x368: {  	s23 =	simm.s32 $0x0;
	p6 =	por $0x0, $0x0  }
.LBB2_47:
.Ltmp75:
0x369: {  	(pc) =	sbr.rel .LBB2_53-.Ltmp75, $3  }
0x36a: {  	_ =	sdelay $0x1  }
0x36b: {  	s23 =	simm.s32 $0x0;
	s21 =	simm.s32 $0x0  }
0x36c: {  	s17 =	simm.s32 $0xFFFFFFFF;
	p0 =	por $0x0, $0x0;
	p3 =	por $0x0, $0x0  }
.LBB2_56:
.Ltmp76:
0x36d: {  	(pc) =	sbr.rel .LBB2_69-.Ltmp76, $4  }
0x36e: {  	p0 =	por $0x0, $0x0  }
0x36f: {  	s19 =	simm.s32 @!p0 $0x0  }
0x370: {  	s19 =	simm.s32 @p0 $0x1  }
0x371: {  	s20 =	simm.s32 $0x80000000;
	[smem:$0x7FA] =	sst s19;
	s19 =	simm.s32 $0x7FFFFFFF  }
.LBB2_86:
.Ltmp77:
0x372: {  	(pc) =	sbr.rel .LBB2_99-.Ltmp77, $2  }
0x373: {  	_ =	sdelay $0x2  }
0x374: {  	s21 =	simm.s32 $0x0;
	p6 =	por $0x0, $0x0  }
.LBB2_5:
.Ltmp78:
0x375: {  	(pc) =	sbr.rel .LBB2_16-.Ltmp78, $4  }
0x376: {  	p0 =	por $0x0, $0x0  }
0x377: {  	s21 =	simm.s32 @!p0 $0x0  }
0x378: {  	s21 =	simm.s32 @p0 $0x1  }
0x379: {  	vm4 =	vmmov vm5;
	s22 =	simm.s32 $0x80000000;
	[smem:$0x7FC] =	sst s21;
	s21 =	simm.s32 $0x7FFFFFFF  }
.LBB2_35:
.Ltmp79:
0x37a: {  	(pc) =	sbr.rel .LBB2_46-.Ltmp79, $2  }
0x37b: {  	_ =	sdelay $0x2  }
0x37c: {  	vm4 =	vmmov vm5;
	s23 =	simm.s32 $0x0;
	p6 =	por $0x0, $0x0  }
.LBB2_49:
.Ltmp80:
0x37d: {  	(pc) =	sbr.rel .LBB2_53-.Ltmp80, $2  }
0x37e: {  	_ =	sdelay $0x2  }
0x37f: {  	s23 =	simm.s32 $0x0;
	s21 =	simm.s32 $0x0;
	s17 =	simm.s32 $0xFFFFFFFF  }
.LBB2_58:
.Ltmp81:
0x380: {  	(pc) =	sbr.rel .LBB2_69-.Ltmp81, $4  }
0x381: {  	p0 =	por $0x0, $0x0  }
0x382: {  	s19 =	simm.s32 @!p0 $0x0  }
0x383: {  	s19 =	simm.s32 @p0 $0x1  }
0x384: {  	vm4 =	vmmov vm5;
	s20 =	simm.s32 $0x80000000;
	[smem:$0x7FA] =	sst s19;
	s19 =	simm.s32 $0x7FFFFFFF  }
.LBB2_88:
.Ltmp82:
0x385: {  	(pc) =	sbr.rel .LBB2_99-.Ltmp82, $2  }
0x386: {  	_ =	sdelay $0x2  }
0x387: {  	vm4 =	vmmov vm5;
	s21 =	simm.s32 $0x0;
	p6 =	por $0x0, $0x0  }
.LBB2_102:
.Ltmp83:
0x388: {  	(pc) =	sbr.rel .LBB2_106-.Ltmp83, $2  }
0x389: {  	_ =	sdelay $0x2  }
0x38a: {  	s21 =	simm.s32 $0x0;
	s19 =	simm.s32 $0x0;
	s16 =	simm.s32 $0xFFFFFFFF  }
.LBB2_7:
.Ltmp84:
0x38b: {  	(pc) =	sbr.rel .LBB2_16-.Ltmp84, $4  }
0x38c: {  	p0 =	por $0x0, $0x0  }
0x38d: {  	s21 =	simm.s32 @!p0 $0x0  }
0x38e: {  	s21 =	simm.s32 @p0 $0x1  }
0x38f: {  	s22 =	simm.s32 $0x80000000;
	[smem:$0x7FC] =	sst s21;
	s21 =	simm.s32 $0x7FFFFFFF  }
.LBB2_37:
.Ltmp85:
0x390: {  	(pc) =	sbr.rel .LBB2_46-.Ltmp85, $2  }
0x391: {  	_ =	sdelay $0x2  }
0x392: {  	s23 =	simm.s32 $0x0;
	p6 =	por $0x0, $0x0  }
.LBB2_51:
.Ltmp86:
0x393: {  	(pc) =	sbr.rel .LBB2_53-.Ltmp86, $2  }
0x394: {  	_ =	sdelay $0x2  }
0x395: {  	s17 =	simm.s32 $0xFFFFFFFF  }
.LBB2_60:
.Ltmp87:
0x396: {  	(pc) =	sbr.rel .LBB2_69-.Ltmp87, $4  }
0x397: {  	p0 =	por $0x0, $0x0  }
0x398: {  	s19 =	simm.s32 @!p0 $0x0  }
0x399: {  	s19 =	simm.s32 @p0 $0x1  }
0x39a: {  	s20 =	simm.s32 $0x80000000;
	[smem:$0x7FA] =	sst s19;
	s19 =	simm.s32 $0x7FFFFFFF  }
.LBB2_90:
.Ltmp88:
0x39b: {  	(pc) =	sbr.rel .LBB2_99-.Ltmp88, $2  }
0x39c: {  	_ =	sdelay $0x2  }
0x39d: {  	s21 =	simm.s32 $0x0;
	p6 =	por $0x0, $0x0  }
.LBB2_104:
.Ltmp89:
0x39e: {  	(pc) =	sbr.rel .LBB2_106-.Ltmp89, $2  }
0x39f: {  	_ =	sdelay $0x2  }
0x3a0: {  	s16 =	simm.s32 $0xFFFFFFFF  }
.LBB2_9:
.Ltmp90:
0x3a1: {  	(pc) =	sbr.rel .LBB2_16-.Ltmp90, $4  }
0x3a2: {  	_ = 	snop  }
0x3a3: {  	s21 =	simm.s32 @!p0 $0x0  }
0x3a4: {  	s21 =	simm.s32 @p0 $0x1  }
0x3a5: {  	vm4 =	vmmov vm5;
	s22 =	simm.s32 $0x80000000;
	[smem:$0x7FC] =	sst s21;
	s21 =	simm.s32 $0x7FFFFFFF  }
.LBB2_39:
.Ltmp91:
0x3a6: {  	(pc) =	sbr.rel .LBB2_46-.Ltmp91, $2  }
0x3a7: {  	_ =	sdelay $0x2  }
0x3a8: {  	vm4 =	vmmov vm5;
	s23 =	simm.s32 $0x0;
	p6 =	por $0x0, $0x0  }
.LBB2_62:
.Ltmp92:
0x3a9: {  	(pc) =	sbr.rel .LBB2_69-.Ltmp92, $4  }
0x3aa: {  	_ = 	snop  }
0x3ab: {  	s19 =	simm.s32 @!p0 $0x0  }
0x3ac: {  	s19 =	simm.s32 @p0 $0x1  }
0x3ad: {  	vm4 =	vmmov vm5;
	s20 =	simm.s32 $0x80000000;
	[smem:$0x7FA] =	sst s19;
	s19 =	simm.s32 $0x7FFFFFFF  }
.LBB2_92:
.Ltmp93:
0x3ae: {  	(pc) =	sbr.rel .LBB2_99-.Ltmp93, $2  }
0x3af: {  	_ =	sdelay $0x2  }
0x3b0: {  	vm4 =	vmmov vm5;
	s21 =	simm.s32 $0x0;
	p6 =	por $0x0, $0x0  }
.LBB2_11:
.Ltmp94:
0x3b1: {  	(pc) =	sbr.rel .LBB2_16-.Ltmp94, $2  }
0x3b2: {  	_ =	sdelay $0x3  }
0x3b3: {  	s21 =	simm.s32 $0x7FFFFFFF;
	s22 =	simm.s32 $0x80000000  }
.LBB2_41:
.Ltmp95:
0x3b4: {  	(pc) =	sbr.rel .LBB2_46-.Ltmp95, $2  }
0x3b5: {  	_ =	sdelay $0x3  }
0x3b6: {  	s23 =	simm.s32 $0x0;
	p6 =	por $0x0, $0x0  }
.LBB2_64:
.Ltmp96:
0x3b7: {  	(pc) =	sbr.rel .LBB2_69-.Ltmp96, $2  }
0x3b8: {  	_ =	sdelay $0x3  }
0x3b9: {  	s19 =	simm.s32 $0x7FFFFFFF;
	s20 =	simm.s32 $0x80000000  }
.LBB2_94:
.Ltmp97:
0x3ba: {  	(pc) =	sbr.rel .LBB2_99-.Ltmp97, $2  }
0x3bb: {  	_ =	sdelay $0x3  }
0x3bc: {  	s21 =	simm.s32 $0x0;
	p6 =	por $0x0, $0x0  }
.LBB2_13:
.Ltmp98:
0x3bd: {  	(pc) =	sbr.rel .LBB2_16-.Ltmp98, $2  }
0x3be: {  	_ =	sdelay $0x2  }
0x3bf: {  	vm4 =	vmmov vm5;
	s21 =	simm.s32 $0x7FFFFFFF;
	s22 =	simm.s32 $0x80000000  }
.LBB2_43:
.Ltmp99:
0x3c0: {  	(pc) =	sbr.rel .LBB2_46-.Ltmp99, $2  }
0x3c1: {  	_ =	sdelay $0x2  }
0x3c2: {  	vm4 =	vmmov vm5;
	s23 =	simm.s32 $0x0  }
.LBB2_66:
.Ltmp100:
0x3c3: {  	(pc) =	sbr.rel .LBB2_69-.Ltmp100, $2  }
0x3c4: {  	_ =	sdelay $0x2  }
0x3c5: {  	vm4 =	vmmov vm5;
	s19 =	simm.s32 $0x7FFFFFFF;
	s20 =	simm.s32 $0x80000000  }
.LBB2_96:
.Ltmp101:
0x3c6: {  	(pc) =	sbr.rel .LBB2_99-.Ltmp101, $2  }
0x3c7: {  	_ =	sdelay $0x2  }
0x3c8: {  	vm4 =	vmmov vm5;
	s21 =	simm.s32 $0x0  }
.LBB2_108:
0x3c9: {  	_ =	sfence.sel $0x180000  }
0x3ca: {  	[bflag:$0x0] =	sbarrier.arrive $0xFFFF  }
0x3cb: {  	p0 =	sne.s32 s2, $0x0;
	_ =	strace $0x90000047  }
0x3cc: {  	s0 =	sadd.s32 @!p0 $0x100000, s0;
	[bflag:$0x2] =	sbarrier.arrive $0xFFFF  }
0x3cd: {  	[sflag:s0] =	ssyncadd.tile.s32 @!p0 $0x1;
	_ =	shalt  }
.Lfunc_end2:
_tile_overlayer_lowered:
.L_overlay_start_2:
0x3ce: {  	(tag) =	ssettag $0x2  }
0x3cf: {  	s0 =	rddreg [dreg:$0x0];
	s2 =	stileid.u32  }
0x3d0: {  	s1 =	rddreg [dreg:$0x1];
	p0 =	sne.s32 s2, $0x0  }
0x3d1: {  	s3 =	rddreg [dreg:$0x2];
	[bflag:$0x3] =	sbarrier.arrive $0xFFFF;
	s2 =	simm.s32 @!p0 $0x1C01  }
0x3d2: {  	[timem:s3], [sflag:s2] =	dma.local @!p0 [hbm:s0], s1  }
0x3d3: {  	s0 =	simm.s32 @!p0 $0x1  }
0x3d4: {  	_ =	swait.ge @!p0 [sflag:s0], s1  }
0x3d5: {  	s1 =	ssub.s32 @!p0 $0x0, s1;
	[sflag:s0] =	ssyncset.done @!p0 $0x0  }
0x3d6: {  	[sflag:s0] =	ssyncadd.s32 @!p0 s1  }
0x3d7: {  	[bflag:$0x3] =	sbarrier.arrive $0xFFFF  }
0x3d8: {  	_ =	shalt  }

</sc_bundles>
